<compile_context>
chip_gen: v7x
topology: tpu7x:2x2x1
jax: 0.10.2.dev20260603
libtpu: 0.0.44.dev20260713+nightly
codegen_flags: <defaults>
</compile_context>

<pallas_src>
import functools

import jax
import jax.numpy as jnp
from jax import lax
from jax.experimental import pallas as pl
from jax.experimental.pallas import tpu as pltpu
from jax.experimental.pallas import tpu_sc as plsc

_INFO = plsc.get_sparse_core_info()
_NC = _INFO.num_cores
_NS = _INFO.num_subcores
_NW = _NC * _NS

_CHUNKS = (16, 48, 64, 64, 48, 16)
_BUFCAP = 64
_NBUF = 2


def _build_gather(R, C, V, D):
    B = R * C
    assert B % _NW == 0
    b_per_w = B // _NW
    assert C % b_per_w == 0
    w_per_r = C // b_per_w
    assert sum(_CHUNKS) == b_per_w
    n_chunks = len(_CHUNKS)
    starts = [sum(_CHUNKS[:i]) for i in range(n_chunks)]

    mesh = plsc.VectorSubcoreMesh(core_axis_name="c", subcore_axis_name="s")

    @functools.partial(
        pl.kernel,
        mesh=mesh,
        out_type=jax.ShapeDtypeStruct((B, D), jnp.float32),
        scratch_types=[
            pltpu.VMEM((b_per_w,), jnp.int32),
            pltpu.VMEM((_NBUF, _BUFCAP, D), jnp.float32),
        ]
        + [pltpu.SemaphoreType.DMA] * (2 * _NBUF),
    )
    def k(idx_hbm, table_hbm, out_hbm, idx_v, rows_v, *sems):
        gsems, osems = sems[:_NBUF], sems[_NBUF:]
        wid = lax.axis_index("s") * _NC + lax.axis_index("c")
        base = wid * b_per_w
        pltpu.sync_copy(
            idx_hbm.at[wid // w_per_r, pl.ds((wid % w_per_r) * b_per_w, b_per_w)],
            idx_v,
        )
        gcp = [None] * _NBUF
        ocp = [None] * _NBUF
        for c in range(n_chunks):
            b = c % _NBUF
            cs = _CHUNKS[c]
            if c >= _NBUF:
                ocp[b].wait()
            gcp[b] = pltpu.async_copy(
                table_hbm.at[idx_v.at[pl.ds(starts[c], cs)]],
                rows_v.at[b, pl.ds(0, cs)],
                gsems[b],
            )
            if c >= 1:
                pb = (c - 1) % _NBUF
                gcp[pb].wait()
                ocp[pb] = pltpu.async_copy(
                    rows_v.at[pb, pl.ds(0, _CHUNKS[c - 1])],
                    out_hbm.at[pl.ds(base + starts[c - 1], _CHUNKS[c - 1])],
                    osems[pb],
                )
        lb = (n_chunks - 1) % _NBUF
        gcp[lb].wait()
        ocp[lb] = pltpu.async_copy(
            rows_v.at[lb, pl.ds(0, _CHUNKS[n_chunks - 1])],
            out_hbm.at[pl.ds(base + starts[n_chunks - 1], _CHUNKS[n_chunks - 1])],
            osems[lb],
        )
        for b in range(min(_NBUF, n_chunks)):
            ocp[(n_chunks - 1 - b) % _NBUF].wait()

    return k


def kernel(x, table):
    R, C = x.shape
    V, D = table.shape
    out = _build_gather(R, C, V, D)(x, table)
    return out.reshape(R, C, D)

# --- scband reference (transcript-rebuilt; emitter-appended) ---
"""Pipeline reference for scband-embed-81973745811706 (READ-ONLY COPY).

The authoritative reference and input builder live on the scoring server;
editing this copy changes nothing except your own understanding.
"""

import jax, jax.numpy as jnp
import numpy as np

D_VOCAB = 1000000
D_MODEL = 768


def setup_inputs(seed: int = 0) -> dict:
    key = jax.random.key(seed)
    k_idx, k_tab = jax.random.split(key)
    x = jax.random.randint(k_idx, (4, 2048), 0, D_VOCAB, dtype=jnp.int64 if jax.config.jax_enable_x64 else jnp.int32)
    table = jax.random.normal(k_tab, (D_VOCAB, D_MODEL), dtype=jnp.float32) * 0.02
    return {"x": x, "table": table}


def reference(x, table):
    # nn.Embedding forward: row gather from the embedding table
    return jnp.take(table, x, axis=0)

if __name__ == "__main__":
    import jax
    _d = setup_inputs()
    print(jax.jit(kernel)(*tuple(_d.values())))

</pallas_src>

<mosaic_0001>
#map = affine_map<(d0, d1) -> (0, 0)>
module attributes {stable_mosaic.version = 14 : i64} {
  func.func @k(%arg0: i32, %arg1: i32, %arg2: memref<4x2048xi32, #tpu.memory_space<hbm>>, %arg3: memref<1000000x768xf32, #tpu.memory_space<hbm>>, %arg4: memref<8192x768xf32, #tpu.memory_space<hbm>>, %arg5: memref<256xi32, #tpu.memory_space<vmem>>, %arg6: memref<2x64x768xf32, #tpu.memory_space<vmem>>, %arg7: memref<!tpu.dma_semaphore, #tpu.memory_space<semaphore_mem>>, %arg8: memref<!tpu.dma_semaphore, #tpu.memory_space<semaphore_mem>>, %arg9: memref<!tpu.dma_semaphore, #tpu.memory_space<semaphore_mem>>, %arg10: memref<!tpu.dma_semaphore, #tpu.memory_space<semaphore_mem>>) attributes {dimension_semantics = [#tpu.dimension_semantics<core_parallel>, #tpu.dimension_semantics<subcore_parallel>], iteration_bounds = array<i64: 2, 16>, scalar_prefetch = 0 : i64, scratch_operands = 6 : i64, tpu.core_type = #tpu.core_type<sc_vector_subcore>, window_params = [{transform_indices = #map}, {transform_indices = #map}, {transform_indices = #map}]} {
    %mul3A = arith.constant 2 : i32
    %mul3A_0 = arith.muli %arg1, %mul3A : i32
    %add3A = arith.addi %mul3A_0, %arg0 : i32
    %mul3A_1 = arith.constant 256 : i32
    %mul3A_2 = arith.muli %add3A, %mul3A_1 : i32
    %jit3A = arith.constant 8 : i32
    %div3A = arith.divsi %add3A, %jit3A : i32
    %sign3A = arith.constant 0 : i32
    %sign3A_3 = arith.cmpi sgt, %add3A, %sign3A : i32
    %sign3A_4 = arith.extui %sign3A_3 : i1 to i32
    %sign3A_5 = arith.constant 0 : i32
    %sign3A_6 = arith.cmpi slt, %add3A, %sign3A_5 : i32
    %sign3A_7 = arith.extui %sign3A_6 : i1 to i32
    %sign3A_8 = arith.subi %sign3A_4, %sign3A_7 : i32
    %sign3A_9 = arith.constant 0 : i32
    %sign3A_10 = arith.cmpi sgt, %jit3A, %sign3A_9 : i32
    %sign3A_11 = arith.extui %sign3A_10 : i1 to i32
    %sign3A_12 = arith.constant 0 : i32
    %sign3A_13 = arith.cmpi slt, %jit3A, %sign3A_12 : i32
    %sign3A_14 = arith.extui %sign3A_13 : i1 to i32
    %sign3A_15 = arith.subi %sign3A_11, %sign3A_14 : i32
    %ne3A = arith.cmpi ne, %sign3A_8, %sign3A_15 : i32
    %rem3A = arith.remsi %add3A, %jit3A : i32
    %ne3A_16 = arith.constant 0 : i32
    %ne3A_17 = arith.cmpi ne, %rem3A, %ne3A_16 : i32
    %and3A = arith.andi %ne3A, %ne3A_17 : i1
    %sub3A = arith.constant 1 : i32
    %sub3A_18 = arith.subi %div3A, %sub3A : i32
    %select_n3A = arith.select %and3A, %sub3A_18, %div3A : i32
    %jit3A_19 = arith.constant 8 : i32
    %eq3A = arith.constant 0 : i32
    %eq3A_20 = arith.cmpi eq, %jit3A_19, %eq3A : i32
    %jit3A_21 = arith.constant 1 : i32
    %select_n3A_22 = arith.select %eq3A_20, %jit3A_21, %jit3A_19 : i32
    %rem3A_23 = arith.remsi %add3A, %select_n3A_22 : i32
    %ne3A_24 = arith.constant 0 : i32
    %ne3A_25 = arith.cmpi ne, %rem3A_23, %ne3A_24 : i32
    %lt3A = arith.constant 0 : i32
    %lt3A_26 = arith.cmpi slt, %rem3A_23, %lt3A : i32
    %lt3A_27 = arith.constant 0 : i32
    %lt3A_28 = arith.cmpi slt, %select_n3A_22, %lt3A_27 : i32
    %ne3A_29 = arith.xori %lt3A_26, %lt3A_28 : i1
    %and3A_30 = arith.andi %ne3A_29, %ne3A_25 : i1
    %add3A_31 = arith.addi %rem3A_23, %select_n3A_22 : i32
    %select_n3A_32 = arith.select %and3A_30, %add3A_31, %rem3A_23 : i32
    %mul3A_33 = arith.constant 256 : i32
    %mul3A_34 = arith.muli %select_n3A_32, %mul3A_33 : i32
    "tpu.region"() ({
      %run_scoped3A = tpu.sem_alloc : memref<!tpu.dma_semaphore, #tpu.memory_space<semaphore_mem>>
      %dma_start3A_321 = tpu.memref_slice %arg2[%select_n3A, %mul3A_34] : memref<4x2048xi32, #tpu.memory_space<hbm>> -> memref<1x256xi32, #tpu.memory_space<hbm>>
      %dma_start3A_322 = tpu.memref_squeeze %dma_start3A_321 : memref<1x256xi32, #tpu.memory_space<hbm>> -> memref<256xi32, #tpu.memory_space<hbm>>
      %dma_start3A_323 = tpu.memref_slice %arg2[%select_n3A, %mul3A_34] : memref<4x2048xi32, #tpu.memory_space<hbm>> -> memref<1x256xi32, #tpu.memory_space<hbm>>
      %dma_start3A_324 = tpu.memref_squeeze %dma_start3A_323 : memref<1x256xi32, #tpu.memory_space<hbm>> -> memref<256xi32, #tpu.memory_space<hbm>>
      tpu.enqueue_dma source(%dma_start3A_324 : memref<256xi32, #tpu.memory_space<hbm>>) target(%arg5 : memref<256xi32, #tpu.memory_space<vmem>>) target_semaphore(%run_scoped3A : memref<!tpu.dma_semaphore, #tpu.memory_space<semaphore_mem>>)
      %dma_wait3A_325 = tpu.memref_slice %arg2[%select_n3A, %mul3A_34] : memref<4x2048xi32, #tpu.memory_space<hbm>> -> memref<1x256xi32, #tpu.memory_space<hbm>>
      %dma_wait3A_326 = tpu.memref_squeeze %dma_wait3A_325 : memref<1x256xi32, #tpu.memory_space<hbm>> -> memref<256xi32, #tpu.memory_space<hbm>>
      %dma_wait3A_327 = tpu.memref_slice %arg2[%select_n3A, %mul3A_34] : memref<4x2048xi32, #tpu.memory_space<hbm>> -> memref<1x256xi32, #tpu.memory_space<hbm>>
      %dma_wait3A_328 = tpu.memref_squeeze %dma_wait3A_327 : memref<1x256xi32, #tpu.memory_space<hbm>> -> memref<256xi32, #tpu.memory_space<hbm>>
      tpu.wait_dma2 semaphore(%run_scoped3A : memref<!tpu.dma_semaphore, #tpu.memory_space<semaphore_mem>>) src(%dma_wait3A_328 : memref<256xi32, #tpu.memory_space<hbm>>) dst(%arg5 : memref<256xi32, #tpu.memory_space<vmem>>)
      tpu.yield
    }) : () -> ()
    %dma_start3A = arith.constant 0 : i32
    %dma_start3A_35 = arith.constant 0 : i32
    %dma_start3A_36 = arith.constant 0 : i32
    %dma_start3A_37 = tpu.memref_slice %arg6[%dma_start3A, %dma_start3A_35, %dma_start3A_36] : memref<2x64x768xf32, #tpu.memory_space<vmem>> -> memref<1x16x768xf32, #tpu.memory_space<vmem>>
    %dma_start3A_38 = tpu.memref_squeeze %dma_start3A_37 : memref<1x16x768xf32, #tpu.memory_space<vmem>> -> memref<16x768xf32, #tpu.memory_space<vmem>>
    %dma_start3A_39 = arith.constant 0 : i32
    %dma_start3A_40 = tpu.memref_slice %arg5[%dma_start3A_39] : memref<256xi32, #tpu.memory_space<vmem>> -> memref<16xi32, #tpu.memory_space<vmem>>
    %dma_start3A_41 = arith.constant 0 : i32
    %dma_start3A_42 = arith.constant 0 : i32
    %dma_start3A_43 = tpu.memref_slice %arg3[%dma_start3A_41, %dma_start3A_42] : memref<1000000x768xf32, #tpu.memory_space<hbm>> -> memref<1000000x768xf32, #tpu.memory_space<hbm>>
    tpu.enqueue_indirect_dma source(%dma_start3A_43 : memref<1000000x768xf32, #tpu.memory_space<hbm>>) target(%dma_start3A_38 : memref<16x768xf32, #tpu.memory_space<vmem>>) offsets(%dma_start3A_40 : memref<16xi32, #tpu.memory_space<vmem>>) semaphore(%arg7 : memref<!tpu.dma_semaphore, #tpu.memory_space<semaphore_mem>>)
    %dma_start3A_44 = arith.constant 1 : i32
    %dma_start3A_45 = arith.constant 0 : i32
    %dma_start3A_46 = arith.constant 0 : i32
    %dma_start3A_47 = tpu.memref_slice %arg6[%dma_start3A_44, %dma_start3A_45, %dma_start3A_46] : memref<2x64x768xf32, #tpu.memory_space<vmem>> -> memref<1x48x768xf32, #tpu.memory_space<vmem>>
    %dma_start3A_48 = tpu.memref_squeeze %dma_start3A_47 : memref<1x48x768xf32, #tpu.memory_space<vmem>> -> memref<48x768xf32, #tpu.memory_space<vmem>>
    %dma_start3A_49 = arith.constant 16 : i32
    %dma_start3A_50 = tpu.memref_slice %arg5[%dma_start3A_49] : memref<256xi32, #tpu.memory_space<vmem>> -> memref<48xi32, #tpu.memory_space<vmem>>
    %dma_start3A_51 = arith.constant 0 : i32
    %dma_start3A_52 = arith.constant 0 : i32
    %dma_start3A_53 = tpu.memref_slice %arg3[%dma_start3A_51, %dma_start3A_52] : memref<1000000x768xf32, #tpu.memory_space<hbm>> -> memref<1000000x768xf32, #tpu.memory_space<hbm>>
    tpu.enqueue_indirect_dma source(%dma_start3A_53 : memref<1000000x768xf32, #tpu.memory_space<hbm>>) target(%dma_start3A_48 : memref<48x768xf32, #tpu.memory_space<vmem>>) offsets(%dma_start3A_50 : memref<48xi32, #tpu.memory_space<vmem>>) semaphore(%arg8 : memref<!tpu.dma_semaphore, #tpu.memory_space<semaphore_mem>>)
    %dma_wait3A = arith.constant 0 : i32
    %dma_wait3A_54 = arith.constant 0 : i32
    %dma_wait3A_55 = arith.constant 0 : i32
    %dma_wait3A_56 = tpu.memref_slice %arg6[%dma_wait3A, %dma_wait3A_54, %dma_wait3A_55] : memref<2x64x768xf32, #tpu.memory_space<vmem>> -> memref<1x16x768xf32, #tpu.memory_space<vmem>>
    %dma_wait3A_57 = tpu.memref_squeeze %dma_wait3A_56 : memref<1x16x768xf32, #tpu.memory_space<vmem>> -> memref<16x768xf32, #tpu.memory_space<vmem>>
    %dma_wait3A_58 = arith.constant 0 : i32
    %dma_wait3A_59 = tpu.memref_slice %arg5[%dma_wait3A_58] : memref<256xi32, #tpu.memory_space<vmem>> -> memref<16xi32, #tpu.memory_space<vmem>>
    %dma_wait3A_60 = arith.constant 0 : i32
    %dma_wait3A_61 = arith.constant 0 : i32
    %dma_wait3A_62 = tpu.memref_slice %arg3[%dma_wait3A_60, %dma_wait3A_61] : memref<1000000x768xf32, #tpu.memory_space<hbm>> -> memref<1000000x768xf32, #tpu.memory_space<hbm>>
    tpu.wait_indirect_dma semaphore(%arg7 : memref<!tpu.dma_semaphore, #tpu.memory_space<semaphore_mem>>) src(%dma_wait3A_62 : memref<1000000x768xf32, #tpu.memory_space<hbm>>) dst(%dma_wait3A_57 : memref<16x768xf32, #tpu.memory_space<vmem>>)
    %add3A_63 = arith.constant 0 : i32
    %add3A_64 = arith.addi %mul3A_2, %add3A_63 : i32
    %dma_start3A_65 = arith.constant 0 : i32
    %dma_start3A_66 = arith.constant 0 : i32
    %dma_start3A_67 = arith.constant 0 : i32
    %dma_start3A_68 = tpu.memref_slice %arg6[%dma_start3A_65, %dma_start3A_66, %dma_start3A_67] : memref<2x64x768xf32, #tpu.memory_space<vmem>> -> memref<1x16x768xf32, #tpu.memory_space<vmem>>
    %dma_start3A_69 = tpu.memref_squeeze %dma_start3A_68 : memref<1x16x768xf32, #tpu.memory_space<vmem>> -> memref<16x768xf32, #tpu.memory_space<vmem>>
    %dma_start3A_70 = arith.constant 0 : i32
    %dma_start3A_71 = tpu.memref_slice %arg4[%add3A_64, %dma_start3A_70] : memref<8192x768xf32, #tpu.memory_space<hbm>> -> memref<16x768xf32, #tpu.memory_space<hbm>>
    %dma_start3A_72 = arith.constant 0 : i32
    %dma_start3A_73 = tpu.memref_slice %arg4[%add3A_64, %dma_start3A_72] : memref<8192x768xf32, #tpu.memory_space<hbm>> -> memref<16x768xf32, #tpu.memory_space<hbm>>
    %dma_start3A_74 = arith.constant 0 : i32
    %dma_start3A_75 = arith.constant 0 : i32
    %dma_start3A_76 = tpu.memref_slice %arg6[%dma_start3A_65, %dma_start3A_74, %dma_start3A_75] : memref<2x64x768xf32, #tpu.memory_space<vmem>> -> memref<1x16x768xf32, #tpu.memory_space<vmem>>
    %dma_start3A_77 = tpu.memref_squeeze %dma_start3A_76 : memref<1x16x768xf32, #tpu.memory_space<vmem>> -> memref<16x768xf32, #tpu.memory_space<vmem>>
    tpu.enqueue_dma source(%dma_start3A_77 : memref<16x768xf32, #tpu.memory_space<vmem>>) target(%dma_start3A_73 : memref<16x768xf32, #tpu.memory_space<hbm>>) target_semaphore(%arg9 : memref<!tpu.dma_semaphore, #tpu.memory_space<semaphore_mem>>)
    %dma_wait3A_78 = arith.constant 0 : i32
    %dma_wait3A_79 = arith.constant 0 : i32
    %dma_wait3A_80 = arith.constant 0 : i32
    %dma_wait3A_81 = tpu.memref_slice %arg6[%dma_wait3A_78, %dma_wait3A_79, %dma_wait3A_80] : memref<2x64x768xf32, #tpu.memory_space<vmem>> -> memref<1x16x768xf32, #tpu.memory_space<vmem>>
    %dma_wait3A_82 = tpu.memref_squeeze %dma_wait3A_81 : memref<1x16x768xf32, #tpu.memory_space<vmem>> -> memref<16x768xf32, #tpu.memory_space<vmem>>
    %dma_wait3A_83 = arith.constant 0 : i32
    %dma_wait3A_84 = tpu.memref_slice %arg4[%add3A_64, %dma_wait3A_83] : memref<8192x768xf32, #tpu.memory_space<hbm>> -> memref<16x768xf32, #tpu.memory_space<hbm>>
    %dma_wait3A_85 = arith.constant 0 : i32
    %dma_wait3A_86 = tpu.memref_slice %arg4[%add3A_64, %dma_wait3A_85] : memref<8192x768xf32, #tpu.memory_space<hbm>> -> memref<16x768xf32, #tpu.memory_space<hbm>>
    %dma_wait3A_87 = arith.constant 0 : i32
    %dma_wait3A_88 = arith.constant 0 : i32
    %dma_wait3A_89 = tpu.memref_slice %arg6[%dma_wait3A_78, %dma_wait3A_87, %dma_wait3A_88] : memref<2x64x768xf32, #tpu.memory_space<vmem>> -> memref<1x16x768xf32, #tpu.memory_space<vmem>>
    %dma_wait3A_90 = tpu.memref_squeeze %dma_wait3A_89 : memref<1x16x768xf32, #tpu.memory_space<vmem>> -> memref<16x768xf32, #tpu.memory_space<vmem>>
    tpu.wait_dma2 semaphore(%arg9 : memref<!tpu.dma_semaphore, #tpu.memory_space<semaphore_mem>>) src(%dma_wait3A_90 : memref<16x768xf32, #tpu.memory_space<vmem>>) dst(%dma_wait3A_86 : memref<16x768xf32, #tpu.memory_space<hbm>>)
    %dma_start3A_91 = arith.constant 0 : i32
    %dma_start3A_92 = arith.constant 0 : i32
    %dma_start3A_93 = arith.constant 0 : i32
    %dma_start3A_94 = tpu.memref_slice %arg6[%dma_start3A_91, %dma_start3A_92, %dma_start3A_93] : memref<2x64x768xf32, #tpu.memory_space<vmem>> -> memref<1x64x768xf32, #tpu.memory_space<vmem>>
    %dma_start3A_95 = tpu.memref_squeeze %dma_start3A_94 : memref<1x64x768xf32, #tpu.memory_space<vmem>> -> memref<64x768xf32, #tpu.memory_space<vmem>>
    %dma_start3A_96 = arith.constant 64 : i32
    %dma_start3A_97 = tpu.memref_slice %arg5[%dma_start3A_96] : memref<256xi32, #tpu.memory_space<vmem>> -> memref<64xi32, #tpu.memory_space<vmem>>
    %dma_start3A_98 = arith.constant 0 : i32
    %dma_start3A_99 = arith.constant 0 : i32
    %dma_start3A_100 = tpu.memref_slice %arg3[%dma_start3A_98, %dma_start3A_99] : memref<1000000x768xf32, #tpu.memory_space<hbm>> -> memref<1000000x768xf32, #tpu.memory_space<hbm>>
    tpu.enqueue_indirect_dma source(%dma_start3A_100 : memref<1000000x768xf32, #tpu.memory_space<hbm>>) target(%dma_start3A_95 : memref<64x768xf32, #tpu.memory_space<vmem>>) offsets(%dma_start3A_97 : memref<64xi32, #tpu.memory_space<vmem>>) semaphore(%arg7 : memref<!tpu.dma_semaphore, #tpu.memory_space<semaphore_mem>>)
    %dma_wait3A_101 = arith.constant 1 : i32
    %dma_wait3A_102 = arith.constant 0 : i32
    %dma_wait3A_103 = arith.constant 0 : i32
    %dma_wait3A_104 = tpu.memref_slice %arg6[%dma_wait3A_101, %dma_wait3A_102, %dma_wait3A_103] : memref<2x64x768xf32, #tpu.memory_space<vmem>> -> memref<1x48x768xf32, #tpu.memory_space<vmem>>
    %dma_wait3A_105 = tpu.memref_squeeze %dma_wait3A_104 : memref<1x48x768xf32, #tpu.memory_space<vmem>> -> memref<48x768xf32, #tpu.memory_space<vmem>>
    %dma_wait3A_106 = arith.constant 16 : i32
    %dma_wait3A_107 = tpu.memref_slice %arg5[%dma_wait3A_106] : memref<256xi32, #tpu.memory_space<vmem>> -> memref<48xi32, #tpu.memory_space<vmem>>
    %dma_wait3A_108 = arith.constant 0 : i32
    %dma_wait3A_109 = arith.constant 0 : i32
    %dma_wait3A_110 = tpu.memref_slice %arg3[%dma_wait3A_108, %dma_wait3A_109] : memref<1000000x768xf32, #tpu.memory_space<hbm>> -> memref<1000000x768xf32, #tpu.memory_space<hbm>>
    tpu.wait_indirect_dma semaphore(%arg8 : memref<!tpu.dma_semaphore, #tpu.memory_space<semaphore_mem>>) src(%dma_wait3A_110 : memref<1000000x768xf32, #tpu.memory_space<hbm>>) dst(%dma_wait3A_105 : memref<48x768xf32, #tpu.memory_space<vmem>>)
    %add3A_111 = arith.constant 16 : i32
    %add3A_112 = arith.addi %mul3A_2, %add3A_111 : i32
    %dma_start3A_113 = arith.constant 1 : i32
    %dma_start3A_114 = arith.constant 0 : i32
    %dma_start3A_115 = arith.constant 0 : i32
    %dma_start3A_116 = tpu.memref_slice %arg6[%dma_start3A_113, %dma_start3A_114, %dma_start3A_115] : memref<2x64x768xf32, #tpu.memory_space<vmem>> -> memref<1x48x768xf32, #tpu.memory_space<vmem>>
    %dma_start3A_117 = tpu.memref_squeeze %dma_start3A_116 : memref<1x48x768xf32, #tpu.memory_space<vmem>> -> memref<48x768xf32, #tpu.memory_space<vmem>>
    %dma_start3A_118 = arith.constant 0 : i32
    %dma_start3A_119 = tpu.memref_slice %arg4[%add3A_112, %dma_start3A_118] : memref<8192x768xf32, #tpu.memory_space<hbm>> -> memref<48x768xf32, #tpu.memory_space<hbm>>
    %dma_start3A_120 = arith.constant 0 : i32
    %dma_start3A_121 = tpu.memref_slice %arg4[%add3A_112, %dma_start3A_120] : memref<8192x768xf32, #tpu.memory_space<hbm>> -> memref<48x768xf32, #tpu.memory_space<hbm>>
    %dma_start3A_122 = arith.constant 0 : i32
    %dma_start3A_123 = arith.constant 0 : i32
    %dma_start3A_124 = tpu.memref_slice %arg6[%dma_start3A_113, %dma_start3A_122, %dma_start3A_123] : memref<2x64x768xf32, #tpu.memory_space<vmem>> -> memref<1x48x768xf32, #tpu.memory_space<vmem>>
    %dma_start3A_125 = tpu.memref_squeeze %dma_start3A_124 : memref<1x48x768xf32, #tpu.memory_space<vmem>> -> memref<48x768xf32, #tpu.memory_space<vmem>>
    tpu.enqueue_dma source(%dma_start3A_125 : memref<48x768xf32, #tpu.memory_space<vmem>>) target(%dma_start3A_121 : memref<48x768xf32, #tpu.memory_space<hbm>>) target_semaphore(%arg10 : memref<!tpu.dma_semaphore, #tpu.memory_space<semaphore_mem>>)
    %dma_wait3A_126 = arith.constant 1 : i32
    %dma_wait3A_127 = arith.constant 0 : i32
    %dma_wait3A_128 = arith.constant 0 : i32
    %dma_wait3A_129 = tpu.memref_slice %arg6[%dma_wait3A_126, %dma_wait3A_127, %dma_wait3A_128] : memref<2x64x768xf32, #tpu.memory_space<vmem>> -> memref<1x48x768xf32, #tpu.memory_space<vmem>>
    %dma_wait3A_130 = tpu.memref_squeeze %dma_wait3A_129 : memref<1x48x768xf32, #tpu.memory_space<vmem>> -> memref<48x768xf32, #tpu.memory_space<vmem>>
    %dma_wait3A_131 = arith.constant 0 : i32
    %dma_wait3A_132 = tpu.memref_slice %arg4[%add3A_112, %dma_wait3A_131] : memref<8192x768xf32, #tpu.memory_space<hbm>> -> memref<48x768xf32, #tpu.memory_space<hbm>>
    %dma_wait3A_133 = arith.constant 0 : i32
    %dma_wait3A_134 = tpu.memref_slice %arg4[%add3A_112, %dma_wait3A_133] : memref<8192x768xf32, #tpu.memory_space<hbm>> -> memref<48x768xf32, #tpu.memory_space<hbm>>
    %dma_wait3A_135 = arith.constant 0 : i32
    %dma_wait3A_136 = arith.constant 0 : i32
    %dma_wait3A_137 = tpu.memref_slice %arg6[%dma_wait3A_126, %dma_wait3A_135, %dma_wait3A_136] : memref<2x64x768xf32, #tpu.memory_space<vmem>> -> memref<1x48x768xf32, #tpu.memory_space<vmem>>
    %dma_wait3A_138 = tpu.memref_squeeze %dma_wait3A_137 : memref<1x48x768xf32, #tpu.memory_space<vmem>> -> memref<48x768xf32, #tpu.memory_space<vmem>>
    tpu.wait_dma2 semaphore(%arg10 : memref<!tpu.dma_semaphore, #tpu.memory_space<semaphore_mem>>) src(%dma_wait3A_138 : memref<48x768xf32, #tpu.memory_space<vmem>>) dst(%dma_wait3A_134 : memref<48x768xf32, #tpu.memory_space<hbm>>)
    %dma_start3A_139 = arith.constant 1 : i32
    %dma_start3A_140 = arith.constant 0 : i32
    %dma_start3A_141 = arith.constant 0 : i32
    %dma_start3A_142 = tpu.memref_slice %arg6[%dma_start3A_139, %dma_start3A_140, %dma_start3A_141] : memref<2x64x768xf32, #tpu.memory_space<vmem>> -> memref<1x64x768xf32, #tpu.memory_space<vmem>>
    %dma_start3A_143 = tpu.memref_squeeze %dma_start3A_142 : memref<1x64x768xf32, #tpu.memory_space<vmem>> -> memref<64x768xf32, #tpu.memory_space<vmem>>
    %dma_start3A_144 = arith.constant 128 : i32
    %dma_start3A_145 = tpu.memref_slice %arg5[%dma_start3A_144] : memref<256xi32, #tpu.memory_space<vmem>> -> memref<64xi32, #tpu.memory_space<vmem>>
    %dma_start3A_146 = arith.constant 0 : i32
    %dma_start3A_147 = arith.constant 0 : i32
    %dma_start3A_148 = tpu.memref_slice %arg3[%dma_start3A_146, %dma_start3A_147] : memref<1000000x768xf32, #tpu.memory_space<hbm>> -> memref<1000000x768xf32, #tpu.memory_space<hbm>>
    tpu.enqueue_indirect_dma source(%dma_start3A_148 : memref<1000000x768xf32, #tpu.memory_space<hbm>>) target(%dma_start3A_143 : memref<64x768xf32, #tpu.memory_space<vmem>>) offsets(%dma_start3A_145 : memref<64xi32, #tpu.memory_space<vmem>>) semaphore(%arg8 : memref<!tpu.dma_semaphore, #tpu.memory_space<semaphore_mem>>)
    %dma_wait3A_149 = arith.constant 0 : i32
    %dma_wait3A_150 = arith.constant 0 : i32
    %dma_wait3A_151 = arith.constant 0 : i32
    %dma_wait3A_152 = tpu.memref_slice %arg6[%dma_wait3A_149, %dma_wait3A_150, %dma_wait3A_151] : memref<2x64x768xf32, #tpu.memory_space<vmem>> -> memref<1x64x768xf32, #tpu.memory_space<vmem>>
    %dma_wait3A_153 = tpu.memref_squeeze %dma_wait3A_152 : memref<1x64x768xf32, #tpu.memory_space<vmem>> -> memref<64x768xf32, #tpu.memory_space<vmem>>
    %dma_wait3A_154 = arith.constant 64 : i32
    %dma_wait3A_155 = tpu.memref_slice %arg5[%dma_wait3A_154] : memref<256xi32, #tpu.memory_space<vmem>> -> memref<64xi32, #tpu.memory_space<vmem>>
    %dma_wait3A_156 = arith.constant 0 : i32
    %dma_wait3A_157 = arith.constant 0 : i32
    %dma_wait3A_158 = tpu.memref_slice %arg3[%dma_wait3A_156, %dma_wait3A_157] : memref<1000000x768xf32, #tpu.memory_space<hbm>> -> memref<1000000x768xf32, #tpu.memory_space<hbm>>
    tpu.wait_indirect_dma semaphore(%arg7 : memref<!tpu.dma_semaphore, #tpu.memory_space<semaphore_mem>>) src(%dma_wait3A_158 : memref<1000000x768xf32, #tpu.memory_space<hbm>>) dst(%dma_wait3A_153 : memref<64x768xf32, #tpu.memory_space<vmem>>)
    %add3A_159 = arith.constant 64 : i32
    %add3A_160 = arith.addi %mul3A_2, %add3A_159 : i32
    %dma_start3A_161 = arith.constant 0 : i32
    %dma_start3A_162 = arith.constant 0 : i32
    %dma_start3A_163 = arith.constant 0 : i32
    %dma_start3A_164 = tpu.memref_slice %arg6[%dma_start3A_161, %dma_start3A_162, %dma_start3A_163] : memref<2x64x768xf32, #tpu.memory_space<vmem>> -> memref<1x64x768xf32, #tpu.memory_space<vmem>>
    %dma_start3A_165 = tpu.memref_squeeze %dma_start3A_164 : memref<1x64x768xf32, #tpu.memory_space<vmem>> -> memref<64x768xf32, #tpu.memory_space<vmem>>
    %dma_start3A_166 = arith.constant 0 : i32
    %dma_start3A_167 = tpu.memref_slice %arg4[%add3A_160, %dma_start3A_166] : memref<8192x768xf32, #tpu.memory_space<hbm>> -> memref<64x768xf32, #tpu.memory_space<hbm>>
    %dma_start3A_168 = arith.constant 0 : i32
    %dma_start3A_169 = tpu.memref_slice %arg4[%add3A_160, %dma_start3A_168] : memref<8192x768xf32, #tpu.memory_space<hbm>> -> memref<64x768xf32, #tpu.memory_space<hbm>>
    %dma_start3A_170 = arith.constant 0 : i32
    %dma_start3A_171 = arith.constant 0 : i32
    %dma_start3A_172 = tpu.memref_slice %arg6[%dma_start3A_161, %dma_start3A_170, %dma_start3A_171] : memref<2x64x768xf32, #tpu.memory_space<vmem>> -> memref<1x64x768xf32, #tpu.memory_space<vmem>>
    %dma_start3A_173 = tpu.memref_squeeze %dma_start3A_172 : memref<1x64x768xf32, #tpu.memory_space<vmem>> -> memref<64x768xf32, #tpu.memory_space<vmem>>
    tpu.enqueue_dma source(%dma_start3A_173 : memref<64x768xf32, #tpu.memory_space<vmem>>) target(%dma_start3A_169 : memref<64x768xf32, #tpu.memory_space<hbm>>) target_semaphore(%arg9 : memref<!tpu.dma_semaphore, #tpu.memory_space<semaphore_mem>>)
    %dma_wait3A_174 = arith.constant 0 : i32
    %dma_wait3A_175 = arith.constant 0 : i32
    %dma_wait3A_176 = arith.constant 0 : i32
    %dma_wait3A_177 = tpu.memref_slice %arg6[%dma_wait3A_174, %dma_wait3A_175, %dma_wait3A_176] : memref<2x64x768xf32, #tpu.memory_space<vmem>> -> memref<1x64x768xf32, #tpu.memory_space<vmem>>
    %dma_wait3A_178 = tpu.memref_squeeze %dma_wait3A_177 : memref<1x64x768xf32, #tpu.memory_space<vmem>> -> memref<64x768xf32, #tpu.memory_space<vmem>>
    %dma_wait3A_179 = arith.constant 0 : i32
    %dma_wait3A_180 = tpu.memref_slice %arg4[%add3A_160, %dma_wait3A_179] : memref<8192x768xf32, #tpu.memory_space<hbm>> -> memref<64x768xf32, #tpu.memory_space<hbm>>
    %dma_wait3A_181 = arith.constant 0 : i32
    %dma_wait3A_182 = tpu.memref_slice %arg4[%add3A_160, %dma_wait3A_181] : memref<8192x768xf32, #tpu.memory_space<hbm>> -> memref<64x768xf32, #tpu.memory_space<hbm>>
    %dma_wait3A_183 = arith.constant 0 : i32
    %dma_wait3A_184 = arith.constant 0 : i32
    %dma_wait3A_185 = tpu.memref_slice %arg6[%dma_wait3A_174, %dma_wait3A_183, %dma_wait3A_184] : memref<2x64x768xf32, #tpu.memory_space<vmem>> -> memref<1x64x768xf32, #tpu.memory_space<vmem>>
    %dma_wait3A_186 = tpu.memref_squeeze %dma_wait3A_185 : memref<1x64x768xf32, #tpu.memory_space<vmem>> -> memref<64x768xf32, #tpu.memory_space<vmem>>
    tpu.wait_dma2 semaphore(%arg9 : memref<!tpu.dma_semaphore, #tpu.memory_space<semaphore_mem>>) src(%dma_wait3A_186 : memref<64x768xf32, #tpu.memory_space<vmem>>) dst(%dma_wait3A_182 : memref<64x768xf32, #tpu.memory_space<hbm>>)
    %dma_start3A_187 = arith.constant 0 : i32
    %dma_start3A_188 = arith.constant 0 : i32
    %dma_start3A_189 = arith.constant 0 : i32
    %dma_start3A_190 = tpu.memref_slice %arg6[%dma_start3A_187, %dma_start3A_188, %dma_start3A_189] : memref<2x64x768xf32, #tpu.memory_space<vmem>> -> memref<1x48x768xf32, #tpu.memory_space<vmem>>
    %dma_start3A_191 = tpu.memref_squeeze %dma_start3A_190 : memref<1x48x768xf32, #tpu.memory_space<vmem>> -> memref<48x768xf32, #tpu.memory_space<vmem>>
    %dma_start3A_192 = arith.constant 192 : i32
    %dma_start3A_193 = tpu.memref_slice %arg5[%dma_start3A_192] : memref<256xi32, #tpu.memory_space<vmem>> -> memref<48xi32, #tpu.memory_space<vmem>>
    %dma_start3A_194 = arith.constant 0 : i32
    %dma_start3A_195 = arith.constant 0 : i32
    %dma_start3A_196 = tpu.memref_slice %arg3[%dma_start3A_194, %dma_start3A_195] : memref<1000000x768xf32, #tpu.memory_space<hbm>> -> memref<1000000x768xf32, #tpu.memory_space<hbm>>
    tpu.enqueue_indirect_dma source(%dma_start3A_196 : memref<1000000x768xf32, #tpu.memory_space<hbm>>) target(%dma_start3A_191 : memref<48x768xf32, #tpu.memory_space<vmem>>) offsets(%dma_start3A_193 : memref<48xi32, #tpu.memory_space<vmem>>) semaphore(%arg7 : memref<!tpu.dma_semaphore, #tpu.memory_space<semaphore_mem>>)
    %dma_wait3A_197 = arith.constant 1 : i32
    %dma_wait3A_198 = arith.constant 0 : i32
    %dma_wait3A_199 = arith.constant 0 : i32
    %dma_wait3A_200 = tpu.memref_slice %arg6[%dma_wait3A_197, %dma_wait3A_198, %dma_wait3A_199] : memref<2x64x768xf32, #tpu.memory_space<vmem>> -> memref<1x64x768xf32, #tpu.memory_space<vmem>>
    %dma_wait3A_201 = tpu.memref_squeeze %dma_wait3A_200 : memref<1x64x768xf32, #tpu.memory_space<vmem>> -> memref<64x768xf32, #tpu.memory_space<vmem>>
    %dma_wait3A_202 = arith.constant 128 : i32
    %dma_wait3A_203 = tpu.memref_slice %arg5[%dma_wait3A_202] : memref<256xi32, #tpu.memory_space<vmem>> -> memref<64xi32, #tpu.memory_space<vmem>>
    %dma_wait3A_204 = arith.constant 0 : i32
    %dma_wait3A_205 = arith.constant 0 : i32
    %dma_wait3A_206 = tpu.memref_slice %arg3[%dma_wait3A_204, %dma_wait3A_205] : memref<1000000x768xf32, #tpu.memory_space<hbm>> -> memref<1000000x768xf32, #tpu.memory_space<hbm>>
    tpu.wait_indirect_dma semaphore(%arg8 : memref<!tpu.dma_semaphore, #tpu.memory_space<semaphore_mem>>) src(%dma_wait3A_206 : memref<1000000x768xf32, #tpu.memory_space<hbm>>) dst(%dma_wait3A_201 : memref<64x768xf32, #tpu.memory_space<vmem>>)
    %add3A_207 = arith.constant 128 : i32
    %add3A_208 = arith.addi %mul3A_2, %add3A_207 : i32
    %dma_start3A_209 = arith.constant 1 : i32
    %dma_start3A_210 = arith.constant 0 : i32
    %dma_start3A_211 = arith.constant 0 : i32
    %dma_start3A_212 = tpu.memref_slice %arg6[%dma_start3A_209, %dma_start3A_210, %dma_start3A_211] : memref<2x64x768xf32, #tpu.memory_space<vmem>> -> memref<1x64x768xf32, #tpu.memory_space<vmem>>
    %dma_start3A_213 = tpu.memref_squeeze %dma_start3A_212 : memref<1x64x768xf32, #tpu.memory_space<vmem>> -> memref<64x768xf32, #tpu.memory_space<vmem>>
    %dma_start3A_214 = arith.constant 0 : i32
    %dma_start3A_215 = tpu.memref_slice %arg4[%add3A_208, %dma_start3A_214] : memref<8192x768xf32, #tpu.memory_space<hbm>> -> memref<64x768xf32, #tpu.memory_space<hbm>>
    %dma_start3A_216 = arith.constant 0 : i32
    %dma_start3A_217 = tpu.memref_slice %arg4[%add3A_208, %dma_start3A_216] : memref<8192x768xf32, #tpu.memory_space<hbm>> -> memref<64x768xf32, #tpu.memory_space<hbm>>
    %dma_start3A_218 = arith.constant 0 : i32
    %dma_start3A_219 = arith.constant 0 : i32
    %dma_start3A_220 = tpu.memref_slice %arg6[%dma_start3A_209, %dma_start3A_218, %dma_start3A_219] : memref<2x64x768xf32, #tpu.memory_space<vmem>> -> memref<1x64x768xf32, #tpu.memory_space<vmem>>
    %dma_start3A_221 = tpu.memref_squeeze %dma_start3A_220 : memref<1x64x768xf32, #tpu.memory_space<vmem>> -> memref<64x768xf32, #tpu.memory_space<vmem>>
    tpu.enqueue_dma source(%dma_start3A_221 : memref<64x768xf32, #tpu.memory_space<vmem>>) target(%dma_start3A_217 : memref<64x768xf32, #tpu.memory_space<hbm>>) target_semaphore(%arg10 : memref<!tpu.dma_semaphore, #tpu.memory_space<semaphore_mem>>)
    %dma_wait3A_222 = arith.constant 1 : i32
    %dma_wait3A_223 = arith.constant 0 : i32
    %dma_wait3A_224 = arith.constant 0 : i32
    %dma_wait3A_225 = tpu.memref_slice %arg6[%dma_wait3A_222, %dma_wait3A_223, %dma_wait3A_224] : memref<2x64x768xf32, #tpu.memory_space<vmem>> -> memref<1x64x768xf32, #tpu.memory_space<vmem>>
    %dma_wait3A_226 = tpu.memref_squeeze %dma_wait3A_225 : memref<1x64x768xf32, #tpu.memory_space<vmem>> -> memref<64x768xf32, #tpu.memory_space<vmem>>
    %dma_wait3A_227 = arith.constant 0 : i32
    %dma_wait3A_228 = tpu.memref_slice %arg4[%add3A_208, %dma_wait3A_227] : memref<8192x768xf32, #tpu.memory_space<hbm>> -> memref<64x768xf32, #tpu.memory_space<hbm>>
    %dma_wait3A_229 = arith.constant 0 : i32
    %dma_wait3A_230 = tpu.memref_slice %arg4[%add3A_208, %dma_wait3A_229] : memref<8192x768xf32, #tpu.memory_space<hbm>> -> memref<64x768xf32, #tpu.memory_space<hbm>>
    %dma_wait3A_231 = arith.constant 0 : i32
    %dma_wait3A_232 = arith.constant 0 : i32
    %dma_wait3A_233 = tpu.memref_slice %arg6[%dma_wait3A_222, %dma_wait3A_231, %dma_wait3A_232] : memref<2x64x768xf32, #tpu.memory_space<vmem>> -> memref<1x64x768xf32, #tpu.memory_space<vmem>>
    %dma_wait3A_234 = tpu.memref_squeeze %dma_wait3A_233 : memref<1x64x768xf32, #tpu.memory_space<vmem>> -> memref<64x768xf32, #tpu.memory_space<vmem>>
    tpu.wait_dma2 semaphore(%arg10 : memref<!tpu.dma_semaphore, #tpu.memory_space<semaphore_mem>>) src(%dma_wait3A_234 : memref<64x768xf32, #tpu.memory_space<vmem>>) dst(%dma_wait3A_230 : memref<64x768xf32, #tpu.memory_space<hbm>>)
    %dma_start3A_235 = arith.constant 1 : i32
    %dma_start3A_236 = arith.constant 0 : i32
    %dma_start3A_237 = arith.constant 0 : i32
    %dma_start3A_238 = tpu.memref_slice %arg6[%dma_start3A_235, %dma_start3A_236, %dma_start3A_237] : memref<2x64x768xf32, #tpu.memory_space<vmem>> -> memref<1x16x768xf32, #tpu.memory_space<vmem>>
    %dma_start3A_239 = tpu.memref_squeeze %dma_start3A_238 : memref<1x16x768xf32, #tpu.memory_space<vmem>> -> memref<16x768xf32, #tpu.memory_space<vmem>>
    %dma_start3A_240 = arith.constant 240 : i32
    %dma_start3A_241 = tpu.memref_slice %arg5[%dma_start3A_240] : memref<256xi32, #tpu.memory_space<vmem>> -> memref<16xi32, #tpu.memory_space<vmem>>
    %dma_start3A_242 = arith.constant 0 : i32
    %dma_start3A_243 = arith.constant 0 : i32
    %dma_start3A_244 = tpu.memref_slice %arg3[%dma_start3A_242, %dma_start3A_243] : memref<1000000x768xf32, #tpu.memory_space<hbm>> -> memref<1000000x768xf32, #tpu.memory_space<hbm>>
    tpu.enqueue_indirect_dma source(%dma_start3A_244 : memref<1000000x768xf32, #tpu.memory_space<hbm>>) target(%dma_start3A_239 : memref<16x768xf32, #tpu.memory_space<vmem>>) offsets(%dma_start3A_241 : memref<16xi32, #tpu.memory_space<vmem>>) semaphore(%arg8 : memref<!tpu.dma_semaphore, #tpu.memory_space<semaphore_mem>>)
    %dma_wait3A_245 = arith.constant 0 : i32
    %dma_wait3A_246 = arith.constant 0 : i32
    %dma_wait3A_247 = arith.constant 0 : i32
    %dma_wait3A_248 = tpu.memref_slice %arg6[%dma_wait3A_245, %dma_wait3A_246, %dma_wait3A_247] : memref<2x64x768xf32, #tpu.memory_space<vmem>> -> memref<1x48x768xf32, #tpu.memory_space<vmem>>
    %dma_wait3A_249 = tpu.memref_squeeze %dma_wait3A_248 : memref<1x48x768xf32, #tpu.memory_space<vmem>> -> memref<48x768xf32, #tpu.memory_space<vmem>>
    %dma_wait3A_250 = arith.constant 192 : i32
    %dma_wait3A_251 = tpu.memref_slice %arg5[%dma_wait3A_250] : memref<256xi32, #tpu.memory_space<vmem>> -> memref<48xi32, #tpu.memory_space<vmem>>
    %dma_wait3A_252 = arith.constant 0 : i32
    %dma_wait3A_253 = arith.constant 0 : i32
    %dma_wait3A_254 = tpu.memref_slice %arg3[%dma_wait3A_252, %dma_wait3A_253] : memref<1000000x768xf32, #tpu.memory_space<hbm>> -> memref<1000000x768xf32, #tpu.memory_space<hbm>>
    tpu.wait_indirect_dma semaphore(%arg7 : memref<!tpu.dma_semaphore, #tpu.memory_space<semaphore_mem>>) src(%dma_wait3A_254 : memref<1000000x768xf32, #tpu.memory_space<hbm>>) dst(%dma_wait3A_249 : memref<48x768xf32, #tpu.memory_space<vmem>>)
    %add3A_255 = arith.constant 192 : i32
    %add3A_256 = arith.addi %mul3A_2, %add3A_255 : i32
    %dma_start3A_257 = arith.constant 0 : i32
    %dma_start3A_258 = arith.constant 0 : i32
    %dma_start3A_259 = arith.constant 0 : i32
    %dma_start3A_260 = tpu.memref_slice %arg6[%dma_start3A_257, %dma_start3A_258, %dma_start3A_259] : memref<2x64x768xf32, #tpu.memory_space<vmem>> -> memref<1x48x768xf32, #tpu.memory_space<vmem>>
    %dma_start3A_261 = tpu.memref_squeeze %dma_start3A_260 : memref<1x48x768xf32, #tpu.memory_space<vmem>> -> memref<48x768xf32, #tpu.memory_space<vmem>>
    %dma_start3A_262 = arith.constant 0 : i32
    %dma_start3A_263 = tpu.memref_slice %arg4[%add3A_256, %dma_start3A_262] : memref<8192x768xf32, #tpu.memory_space<hbm>> -> memref<48x768xf32, #tpu.memory_space<hbm>>
    %dma_start3A_264 = arith.constant 0 : i32
    %dma_start3A_265 = tpu.memref_slice %arg4[%add3A_256, %dma_start3A_264] : memref<8192x768xf32, #tpu.memory_space<hbm>> -> memref<48x768xf32, #tpu.memory_space<hbm>>
    %dma_start3A_266 = arith.constant 0 : i32
    %dma_start3A_267 = arith.constant 0 : i32
    %dma_start3A_268 = tpu.memref_slice %arg6[%dma_start3A_257, %dma_start3A_266, %dma_start3A_267] : memref<2x64x768xf32, #tpu.memory_space<vmem>> -> memref<1x48x768xf32, #tpu.memory_space<vmem>>
    %dma_start3A_269 = tpu.memref_squeeze %dma_start3A_268 : memref<1x48x768xf32, #tpu.memory_space<vmem>> -> memref<48x768xf32, #tpu.memory_space<vmem>>
    tpu.enqueue_dma source(%dma_start3A_269 : memref<48x768xf32, #tpu.memory_space<vmem>>) target(%dma_start3A_265 : memref<48x768xf32, #tpu.memory_space<hbm>>) target_semaphore(%arg9 : memref<!tpu.dma_semaphore, #tpu.memory_space<semaphore_mem>>)
    %dma_wait3A_270 = arith.constant 1 : i32
    %dma_wait3A_271 = arith.constant 0 : i32
    %dma_wait3A_272 = arith.constant 0 : i32
    %dma_wait3A_273 = tpu.memref_slice %arg6[%dma_wait3A_270, %dma_wait3A_271, %dma_wait3A_272] : memref<2x64x768xf32, #tpu.memory_space<vmem>> -> memref<1x16x768xf32, #tpu.memory_space<vmem>>
    %dma_wait3A_274 = tpu.memref_squeeze %dma_wait3A_273 : memref<1x16x768xf32, #tpu.memory_space<vmem>> -> memref<16x768xf32, #tpu.memory_space<vmem>>
    %dma_wait3A_275 = arith.constant 240 : i32
    %dma_wait3A_276 = tpu.memref_slice %arg5[%dma_wait3A_275] : memref<256xi32, #tpu.memory_space<vmem>> -> memref<16xi32, #tpu.memory_space<vmem>>
    %dma_wait3A_277 = arith.constant 0 : i32
    %dma_wait3A_278 = arith.constant 0 : i32
    %dma_wait3A_279 = tpu.memref_slice %arg3[%dma_wait3A_277, %dma_wait3A_278] : memref<1000000x768xf32, #tpu.memory_space<hbm>> -> memref<1000000x768xf32, #tpu.memory_space<hbm>>
    tpu.wait_indirect_dma semaphore(%arg8 : memref<!tpu.dma_semaphore, #tpu.memory_space<semaphore_mem>>) src(%dma_wait3A_279 : memref<1000000x768xf32, #tpu.memory_space<hbm>>) dst(%dma_wait3A_274 : memref<16x768xf32, #tpu.memory_space<vmem>>)
    %add3A_280 = arith.constant 240 : i32
    %add3A_281 = arith.addi %mul3A_2, %add3A_280 : i32
    %dma_start3A_282 = arith.constant 1 : i32
    %dma_start3A_283 = arith.constant 0 : i32
    %dma_start3A_284 = arith.constant 0 : i32
    %dma_start3A_285 = tpu.memref_slice %arg6[%dma_start3A_282, %dma_start3A_283, %dma_start3A_284] : memref<2x64x768xf32, #tpu.memory_space<vmem>> -> memref<1x16x768xf32, #tpu.memory_space<vmem>>
    %dma_start3A_286 = tpu.memref_squeeze %dma_start3A_285 : memref<1x16x768xf32, #tpu.memory_space<vmem>> -> memref<16x768xf32, #tpu.memory_space<vmem>>
    %dma_start3A_287 = arith.constant 0 : i32
    %dma_start3A_288 = tpu.memref_slice %arg4[%add3A_281, %dma_start3A_287] : memref<8192x768xf32, #tpu.memory_space<hbm>> -> memref<16x768xf32, #tpu.memory_space<hbm>>
    %dma_start3A_289 = arith.constant 0 : i32
    %dma_start3A_290 = tpu.memref_slice %arg4[%add3A_281, %dma_start3A_289] : memref<8192x768xf32, #tpu.memory_space<hbm>> -> memref<16x768xf32, #tpu.memory_space<hbm>>
    %dma_start3A_291 = arith.constant 0 : i32
    %dma_start3A_292 = arith.constant 0 : i32
    %dma_start3A_293 = tpu.memref_slice %arg6[%dma_start3A_282, %dma_start3A_291, %dma_start3A_292] : memref<2x64x768xf32, #tpu.memory_space<vmem>> -> memref<1x16x768xf32, #tpu.memory_space<vmem>>
    %dma_start3A_294 = tpu.memref_squeeze %dma_start3A_293 : memref<1x16x768xf32, #tpu.memory_space<vmem>> -> memref<16x768xf32, #tpu.memory_space<vmem>>
    tpu.enqueue_dma source(%dma_start3A_294 : memref<16x768xf32, #tpu.memory_space<vmem>>) target(%dma_start3A_290 : memref<16x768xf32, #tpu.memory_space<hbm>>) target_semaphore(%arg10 : memref<!tpu.dma_semaphore, #tpu.memory_space<semaphore_mem>>)
    %dma_wait3A_295 = arith.constant 1 : i32
    %dma_wait3A_296 = arith.constant 0 : i32
    %dma_wait3A_297 = arith.constant 0 : i32
    %dma_wait3A_298 = tpu.memref_slice %arg6[%dma_wait3A_295, %dma_wait3A_296, %dma_wait3A_297] : memref<2x64x768xf32, #tpu.memory_space<vmem>> -> memref<1x16x768xf32, #tpu.memory_space<vmem>>
    %dma_wait3A_299 = tpu.memref_squeeze %dma_wait3A_298 : memref<1x16x768xf32, #tpu.memory_space<vmem>> -> memref<16x768xf32, #tpu.memory_space<vmem>>
    %dma_wait3A_300 = arith.constant 0 : i32
    %dma_wait3A_301 = tpu.memref_slice %arg4[%add3A_281, %dma_wait3A_300] : memref<8192x768xf32, #tpu.memory_space<hbm>> -> memref<16x768xf32, #tpu.memory_space<hbm>>
    %dma_wait3A_302 = arith.constant 0 : i32
    %dma_wait3A_303 = tpu.memref_slice %arg4[%add3A_281, %dma_wait3A_302] : memref<8192x768xf32, #tpu.memory_space<hbm>> -> memref<16x768xf32, #tpu.memory_space<hbm>>
    %dma_wait3A_304 = arith.constant 0 : i32
    %dma_wait3A_305 = arith.constant 0 : i32
    %dma_wait3A_306 = tpu.memref_slice %arg6[%dma_wait3A_295, %dma_wait3A_304, %dma_wait3A_305] : memref<2x64x768xf32, #tpu.memory_space<vmem>> -> memref<1x16x768xf32, #tpu.memory_space<vmem>>
    %dma_wait3A_307 = tpu.memref_squeeze %dma_wait3A_306 : memref<1x16x768xf32, #tpu.memory_space<vmem>> -> memref<16x768xf32, #tpu.memory_space<vmem>>
    tpu.wait_dma2 semaphore(%arg10 : memref<!tpu.dma_semaphore, #tpu.memory_space<semaphore_mem>>) src(%dma_wait3A_307 : memref<16x768xf32, #tpu.memory_space<vmem>>) dst(%dma_wait3A_303 : memref<16x768xf32, #tpu.memory_space<hbm>>)
    %dma_wait3A_308 = arith.constant 0 : i32
    %dma_wait3A_309 = arith.constant 0 : i32
    %dma_wait3A_310 = arith.constant 0 : i32
    %dma_wait3A_311 = tpu.memref_slice %arg6[%dma_wait3A_308, %dma_wait3A_309, %dma_wait3A_310] : memref<2x64x768xf32, #tpu.memory_space<vmem>> -> memref<1x48x768xf32, #tpu.memory_space<vmem>>
    %dma_wait3A_312 = tpu.memref_squeeze %dma_wait3A_311 : memref<1x48x768xf32, #tpu.memory_space<vmem>> -> memref<48x768xf32, #tpu.memory_space<vmem>>
    %dma_wait3A_313 = arith.constant 0 : i32
    %dma_wait3A_314 = tpu.memref_slice %arg4[%add3A_256, %dma_wait3A_313] : memref<8192x768xf32, #tpu.memory_space<hbm>> -> memref<48x768xf32, #tpu.memory_space<hbm>>
    %dma_wait3A_315 = arith.constant 0 : i32
    %dma_wait3A_316 = tpu.memref_slice %arg4[%add3A_256, %dma_wait3A_315] : memref<8192x768xf32, #tpu.memory_space<hbm>> -> memref<48x768xf32, #tpu.memory_space<hbm>>
    %dma_wait3A_317 = arith.constant 0 : i32
    %dma_wait3A_318 = arith.constant 0 : i32
    %dma_wait3A_319 = tpu.memref_slice %arg6[%dma_wait3A_308, %dma_wait3A_317, %dma_wait3A_318] : memref<2x64x768xf32, #tpu.memory_space<vmem>> -> memref<1x48x768xf32, #tpu.memory_space<vmem>>
    %dma_wait3A_320 = tpu.memref_squeeze %dma_wait3A_319 : memref<1x48x768xf32, #tpu.memory_space<vmem>> -> memref<48x768xf32, #tpu.memory_space<vmem>>
    tpu.wait_dma2 semaphore(%arg9 : memref<!tpu.dma_semaphore, #tpu.memory_space<semaphore_mem>>) src(%dma_wait3A_320 : memref<48x768xf32, #tpu.memory_space<vmem>>) dst(%dma_wait3A_316 : memref<48x768xf32, #tpu.memory_space<hbm>>)
    return
  }
}

</mosaic_0001>

<sc_bundles>
// kernel: kernel.3.cloned.1.call-start
scs
__scs_entry_jumppad:
0x0: {  	(pc) =	sbr.rel $0x88, $3  }
0x1: {  	(tag) =	ssettag $0x0;
	lr =	simm.s32 $0x1  }
0x2: {  	[smem:$0x3F9F] =	sst lr;
	_ =	strace $0xD0000000  }
0x3: {  	_ = 	snop  }
0x4: {  	_ = 	snop  }
0x5: {  	_ = 	snop  }
0x6: {  	_ = 	snop  }
0x7: {  	_ = 	snop  }
__scs_overlays_trampoline_lowered:
0x8: {  	[smem:$0x3FAE] =	sst s0  }
0x9: {  	[smem:$0x3FAF] =	sst s1  }
0xa: {  	[smem:$0x3FB0] =	sst s2  }
0xb: {  	[smem:$0x3FB1] =	sst s3  }
0xc: {  	[smem:$0x3FB2] =	sst s4  }
0xd: {  	[smem:$0x3FB3] =	sst s5  }
0xe: {  	[smem:$0x3FB4] =	sst s6  }
0xf: {  	[smem:$0x3FB5] =	sst s7  }
0x10: {  	[smem:$0x3FB6] =	sst s8  }
0x11: {  	[smem:$0x3FB7] =	sst s9;
	s0 =	simm.s32 @!p0 $0x0  }
0x12: {  	s1 =	sld [smem:$0x3F9D];
	s0 =	simm.s32 @p0 $0x1  }
0x13: {  	[smem:$0x3FB8] =	sst s0;
	s0 =	simm.s32 @!p1 $0x0  }
0x14: {  	s2 =	sld [smem:$0x3F9C];
	s0 =	simm.s32 @p1 $0x1  }
0x15: {  	[smem:$0x3FB9] =	sst s0;
	s0 =	simm.s32 @!p2 $0x0  }
0x16: {  	s3 =	sld [smem:$0x3FDB];
	s0 =	simm.s32 @p2 $0x1  }
0x17: {  	s4 =	simm.s32 $0x1BF5;
	[smem:$0x3FBB] =	sst s0  }
0x18: {  	s0 =	sld [smem:$0x3F9E];
	_ =	swait.ge [sflag:s4], $0x0  }
0x19: {  	s7 =	sld [smem:$0x3F9F]  }
0x1a: {  	s8 =	sadd.s32 $0xFFFFE003, lr  }
0x1b: {  	s9 =	sadd.s32 $0xFFFFFEF7, lr;
	s5 =	simm.s32 $0xFFFFFFFF;
	p2 =	slt.u32 s8, $0xFFFFF086  }
0x1c: {  	p1 =	slt.u32 s9, $0xF7A;
	s5 =	simm.s32 @!p2 $0x0  }
0x1d: {  	s5 =	simm.s32 @p1 $0x1;
	p0 =	seq.s32 s7, s2  }
0x1e: {  	s7 =	smul.u32 @!p0 $0xF7A, s2;
	p2 =	seq.s32 @!p0 s5, $0x0  }
0x1f: {  	s9 =	smul.u32 $0xF7A, s1;
	s8 =	simm.s32 @!p0 $0x1BF5;
	p2 =	por !p2, p0  }
0x20: {  	[sflag:s8] =	ssyncset.s32 @!p0 $0xFFFFF086;
	s6 =	sadd.s32 @!p0 s3, s7;
	s7 =	simm.s32 @!p0 $0x108  }
0x21: {  	s3 =	sadd.s32 s3, s9;
	s6 =	sadd.s32 @!p0 $0x88, s6;
	s7 =	simm.s32 @p2 $0x1082  }
0x22: {  	[simem:s7], [sflag:s8] =	dma.local @!p0 [hbm:s6], $0xF7A  }
0x23: {  	s9 =	sor.u32 $0xD0000000, s2;
	s6 =	simm.s32 $0x108;
	_ =	swait.ge @!p0 [sflag:s8], $0x0  }
0x24: {  	s3 =	sadd.s32 $0x88, s3;
	s6 =	simm.s32 @!p1 $0x1082;
	[sflag:s4] =	ssyncset.s32 $0xFFFFF086  }
0x25: {  	[simem:s6], [sflag:s4] =	dma.local [hbm:s3], $0xF7A  }
0x26: {  	[smem:$0x3F9F] =	sst s1;
	(tag) =	ssettag s2;
	_ =	strace s9  }
0x27: {  	s1 =	sld [smem:$0x3FAF]  }
0x28: {  	s2 =	sld [smem:$0x3FB0]  }
0x29: {  	s4 =	sld [smem:$0x3FB2]  }
0x2a: {  	p0 =	seq.s32 s5, $0x0;
	s5 =	sld [smem:$0x3FB3]  }
0x2b: {  	s6 =	sld [smem:$0x3FB4]  }
0x2c: {  	s7 =	sld [smem:$0x3FB5]  }
0x2d: {  	s3 =	simm.s32 $0x108;
	s8 =	sld [smem:$0x3FB6]  }
0x2e: {  	s3 =	simm.s32 @!p0 $0x1082;
	s9 =	sld [smem:$0x3FB7]  }
0x2f: {  	lr =	sadd.s32 s0, s3;
	s0 =	sld [smem:$0x3FAE]  }
0x30: {  	s3 =	sld [smem:$0x3FB1]  }
0x31: {  	[smem:$0x3FBA] =	sst s10  }
0x32: {  	s10 =	sld [smem:$0x3FB8];
	_ =	sdelay $0x3  }
0x33: {  	p0 =	seq.s32 s10, $0x1;
	s10 =	sld [smem:$0x3FBA];
	_ =	sdelay $0x3  }
0x34: {  	[smem:$0x3FBA] =	sst s10  }
0x35: {  	s10 =	sld [smem:$0x3FB9];
	_ =	sdelay $0x3  }
0x36: {  	p1 =	seq.s32 s10, $0x1;
	s10 =	sld [smem:$0x3FBA];
	_ =	sdelay $0x3  }
0x37: {  	[smem:$0x3FBA] =	sst s10  }
0x38: {  	s10 =	sld [smem:$0x3FBB]  }
0x39: {  	_ = 	snop;
	(pc) =	sbr.ind lr, $3  }
0x3a: {  	_ = 	snop  }
0x3b: {  	_ = 	snop  }
0x3c: {  	p2 =	seq.s32 s10, $0x1;
	s10 =	sld [smem:$0x3FBA]  }
0x3d: {  	_ =	shalt  }
0x3e: {  	_ =	shalt  }
0x3f: {  	_ =	shalt  }
0x40: {  	_ =	shalt  }
0x41: {  	_ =	shalt  }
0x42: {  	_ =	shalt  }
0x43: {  	_ =	shalt  }
0x44: {  	_ =	shalt  }
0x45: {  	_ =	shalt  }
0x46: {  	_ =	shalt  }
0x47: {  	_ =	shalt  }
0x48: {  	_ =	shalt  }
0x49: {  	_ =	shalt  }
0x4a: {  	_ =	shalt  }
0x4b: {  	_ =	shalt  }
0x4c: {  	_ =	shalt  }
0x4d: {  	_ =	shalt  }
0x4e: {  	_ =	shalt  }
0x4f: {  	_ =	shalt  }
0x50: {  	_ =	shalt  }
0x51: {  	_ =	shalt  }
0x52: {  	_ =	shalt  }
0x53: {  	_ =	shalt  }
0x54: {  	_ =	shalt  }
0x55: {  	_ =	shalt  }
0x56: {  	_ =	shalt  }
0x57: {  	_ =	shalt  }
0x58: {  	_ =	shalt  }
0x59: {  	_ =	shalt  }
0x5a: {  	_ =	shalt  }
0x5b: {  	_ =	shalt  }
0x5c: {  	_ =	shalt  }
0x5d: {  	_ =	shalt  }
0x5e: {  	_ =	shalt  }
0x5f: {  	_ =	shalt  }
0x60: {  	_ =	shalt  }
0x61: {  	_ =	shalt  }
0x62: {  	_ =	shalt  }
0x63: {  	_ =	shalt  }
0x64: {  	_ =	shalt  }
0x65: {  	_ =	shalt  }
0x66: {  	_ =	shalt  }
0x67: {  	_ =	shalt  }
0x68: {  	_ =	shalt  }
0x69: {  	_ =	shalt  }
0x6a: {  	_ =	shalt  }
0x6b: {  	_ =	shalt  }
0x6c: {  	_ =	shalt  }
0x6d: {  	_ =	shalt  }
0x6e: {  	_ =	shalt  }
0x6f: {  	_ =	shalt  }
0x70: {  	_ =	shalt  }
0x71: {  	_ =	shalt  }
0x72: {  	_ =	shalt  }
0x73: {  	_ =	shalt  }
0x74: {  	_ =	shalt  }
0x75: {  	_ =	shalt  }
0x76: {  	_ =	shalt  }
0x77: {  	_ =	shalt  }
0x78: {  	_ =	shalt  }
0x79: {  	_ =	shalt  }
0x7a: {  	_ =	shalt  }
0x7b: {  	_ =	shalt  }
0x7c: {  	_ =	shalt  }
0x7d: {  	_ =	shalt  }
0x7e: {  	_ =	shalt  }
0x7f: {  	_ =	shalt  }
0x80: {  	_ =	shalt  }
0x81: {  	_ =	shalt  }
0x82: {  	_ =	shalt  }
0x83: {  	_ =	shalt  }
0x84: {  	_ =	shalt  }
0x85: {  	_ =	shalt  }
0x86: {  	_ =	shalt  }
0x87: {  	_ =	shalt  }
.Lfunc_end0:
.L_simem_size_0:
called_computation_lowered:
.L_overlay_start_0:
0x88: {  	s2 =	sld [smem:$0x3FD9]  }
0x89: {  	s3 =	sld [smem:$0x3FFE];
	_ =	sdelay $0x1  }
0x8a: {  	s1 =	srdreg.scid  }
0x8b: {  	s0 =	sand.u32 $0x1, s1  }
0x8c: {  	s18 =	sshll.u32 s0, $0xA;
	s2 =	sadd.s32 s3, s2  }
0x8d: {  	s2 =	sadd.s32 s2, s18  }
0x8e: {  	[smem:$0x3FC6] =	sst s2  }
0x8f: {  	_ = 	snop  }
0x90: {  	s2 =	sld [smem:$0x3FC9]  }
0x91: {  	s19 =	sld [smem:$0x3FC8]  }
0x92: {  	s4 =	sld [smem:$0x3FD0];
	(tm) =	ssettm $0x1  }
0x93: {  	s5 =	sld [smem:$0x3FFB];
	_ =	sdelay $0x3  }
0x94: {  	_ =	strace s5  }
0x95: {  	s5 =	sld [smem:$0x3FFC];
	_ =	sdelay $0x3  }
0x96: {  	_ =	strace s5  }
0x97: {  	s5 =	sld [smem:$0x3FFD];
	_ =	sdelay $0x3  }
0x98: {  	_ =	strace s5  }
0x99: {  	_ =	strace $0x8FFFFFFF  }
0x9a: {  	s20 =	sld [smem:$0x3FDB];
	_ =	sdelay $0x1  }
0x9b: {  	s6 =	simm.s32 $_scs_section_size  }
0x9c: {  	s7 =	simm.s32 $_size__tile_overlayer_lowered;
	s8 =	simm.s32 $_tile_overlayer_lowered  }
0x9d: {  	s23 =	simm.s32 $0x1BFF;
	s22 =	sshll.u32 s8, $0x1;
	s5 =	sadd.s32 s6, s20  }
0x9e: {  	s9 =	simm.s32 $0x0;
	s21 =	sshll.u32 s7, $0x1;
	s7 =	sadd.s32 s22, s5  }
0x9f: {  	[timem:s9], [sflag:s23] =	dma.local [hbm:s7], s21  }
0xa0: {  	_ =	swait.ge [sflag:s23], s21  }
0xa1: {  	s6 =	ssub.s32 $0x0, s21;
	[sflag:s23] =	ssyncset.done $0x0  }
0xa2: {  	[sflag:s23] =	ssyncadd.s32 s6;
	_ =	sdelay $0x1  }
0xa3: {  	s24 =	simm.s32 $0x1B8B  }
0xa4: {  	_ =	swait.ge [sflag:s24], $0x1  }
0xa5: {  	[sflag:s24] =	ssyncset.done $0x0  }
0xa6: {  	s25 =	simm.s32 $0x1B8E;
	[sflag:s24] =	ssyncadd.s32 $0xFFFFFFFF  }
0xa7: {  	s26 =	simm.s32 $execute0_lowered;
	[smem:$0x3FD2] =	sst s25  }
0xa8: {  	s6 =	sshll.u32 s26, $0x1;
	_ =	strace $0x80000046;
	[dreg:$0x1] =	wrdreg $0xFFFFFFFF  }
0xa9: {  	s28 =	simm.s32 $_size_execute0_lowered;
	s5 =	sadd.s32 s5, s6;
	[dreg:$0x0] =	wrdreg $0x0  }
0xaa: {  	s6 =	sshll.u32 s28, $0x1;
	[dreg:$0x2] =	wrdreg s5  }
0xab: {  	[dreg:$0x3] =	wrdreg s6  }
0xac: {  	[dreg:$0x4] =	wrdreg $0xC0  }
0xad: {  	_ =	task [dreg:s9], $0x5FFFF  }
0xae: {  	[dreg:$0x1] =	wrdreg $0xFFFFFFFF  }
0xaf: {  	[dreg:$0x0] =	wrdreg $0x60  }
0xb0: {  	[dreg:$0x2] =	wrdreg s2  }
0xb1: {  	[dreg:$0x3] =	wrdreg s19  }
0xb2: {  	[dreg:$0x4] =	wrdreg s4  }
0xb3: {  	[dreg:$0x5] =	wrdreg $0x9  }
0xb4: {  	_ =	task.clear_ibuf [dreg:s9], $0x6FFFF;
	_ =	strace $0x90000046  }
0xb5: {  	s29 =	simm.s32 $0x9;
	_ =	strace $0x80000048  }
0xb6: {  	_ =	swait.ge [sflag:s29], $0x1  }
0xb7: {  	[sflag:s29] =	ssyncadd.s32 $0xFFFFFFFF  }
0xb8: {  	_ =	strace $0x90000048  }
0xb9: {  	_ =	sfence  }
0xba: {  	s30 =	sld [smem:$0x0];
	_ =	sdelay $0x2  }
0xbb: {  	s31 =	sshll.u32 s1, $0xD;
	s1 =	sshrl.u32 s1, $0x2  }
0xbc: {  	s3 =	sand.u32 $0x4000, s31;
	s1 =	sadd.s32 s1, s30  }
0xbd: {  	s0 =	sor.u32 s3, s0;
	s1 =	sshll.u32 s1, $0x11  }
0xbe: {  	s0 =	sor.u32 s1, s0  }
0xbf: {  	s0 =	sadd.s32 $0x8F2B, s0  }
0xc0: {  	[sflag:s0] =	ssyncadd.remote.s32 $0x1  }
0xc1: {  	_ =	sfence.sel $0xFFFF  }
0xc2: {  	[dreg:$0x0] =	wrdreg $0xFFFFFFFF;
	(pc) =	sbr.abs _section_cstart, $3  }
0xc3: {  	[dreg:$0x1] =	wrdreg $0xFFFFFFFF  }
0xc4: {  	_ =	task.clear_ibuf [dreg:s9], $0x2FFFF;
	_ =	strace $0x9FFFFFFF  }
0xc5: {  	(tm) =	ssettm $0x7FFFFFFF  }
tec
execute0_lowered:
.L_overlay_start_1:
0x0: {  	(tag) =	ssettag $0x1  }
0x1: {  	s0 =	rddreg [dreg:$0x0]  }
0x2: {  	s1 =	rddreg [dreg:$0x1]  }
0x3: {  	s2 =	rddreg [dreg:$0x2];
	s3 =	simm.s32 $0x0  }
0x4: {  	s14 =	simm.s32 $0x80;
	[smem:$0x7FF] =	sst s3  }
0x5: {  	s15 =	simm.s32 $0x200;
	_ =	strace $0x80000047;
	[dreg:$0xa] =	wrdreg s14  }
0x6: {  	s16 =	simm.s32 $0x9100;
	[dreg:$0xb] =	wrdreg s15  }
0x7: {  	s17 =	simm.s32 $0x9900;
	[dreg:$0xc] =	wrdreg s16  }
0x8: {  	s18 =	simm.s32 $0xA100;
	[dreg:$0xd] =	wrdreg s17  }
0x9: {  	s4 =	srdreg.scid;
	s19 =	simm.s32 $0xA900;
	[dreg:$0xe] =	wrdreg s18  }
0xa: {  	s6 =	stileid.u32;
	s20 =	simm.s32 $0xB100;
	[dreg:$0xf] =	wrdreg s19  }
0xb: {  	s21 =	simm.s32 $0xB900;
	s22 =	simm.s32 $0x15100;
	[dreg:$0x10] =	wrdreg s20  }
0xc: {  	s23 =	simm.s32 $0x15900;
	s24 =	simm.s32 $0x16100;
	[dreg:$0x11] =	wrdreg s21  }
0xd: {  	s25 =	simm.s32 $0x16900;
	s26 =	simm.s32 $0x17100;
	[dreg:$0x12] =	wrdreg s22  }
0xe: {  	s28 =	simm.s32 $0x17900;
	s29 =	simm.s32 $0xF900;
	[dreg:$0x13] =	wrdreg s23  }
0xf: {  	s30 =	simm.s32 $0x10100;
	s31 =	simm.s32 $0x10900;
	[dreg:$0x14] =	wrdreg s24  }
0x10: {  	s4 =	sand.u32 $0x1, s4;
	s5 =	sshll.u32 s6, $0x1;
	[dreg:$0x15] =	wrdreg s25  }
0x11: {  	s6 =	sshll.u32 s6, $0x2;
	s5 =	sor.u32 s4, s5;
	[dreg:$0x16] =	wrdreg s26  }
0x12: {  	s6 =	sand.u32 $0x30, s6;
	s4 =	ssub.s32 $0x2, s4;
	[dreg:$0x17] =	wrdreg s28  }
0x13: {  	s21 =	simm.s32 $0x3;
	s23 =	simm.s32 $0x2;
	s24 =	simm.s32 $0x4  }
0x14: {  	s15 =	simm.s32 $0x100;
	s22 =	simm.s32 $0x12100;
	s17 =	simm.s32 $0x14100  }
0x15: {  	s18 =	simm.s32 $0x14900;
	s20 =	simm.s32 $0x3900;
	s8 =	smul.u32 $0x6000, s5  }
0x16: {  	s7 =	sshll.u32 s5, $0x7;
	s0 =	sadd.s32 s0, s6;
	s5 =	smul.u32 $0x30000, s5  }
0x17: {  	s10 =	sshrl.u32 s4, $0x1;
	s6 =	sadd.s32 $0x200, s1;
	s7 =	sand.u32 $0x380, s7  }
0x18: {  	s4 =	ssub.s32 s4, s10;
	s10 =	simm.s32 $0x13100;
	s0 =	sadd.s32 s7, s0  }
0x19: {  	s7 =	sadd.s32 s2, s8;
	s5 =	sshrl.u32 s5, $0x3;
	[dreg:$0x4] =	wrdreg s0  }
0x1a: {  	s8 =	sadd.s32 $0x600, s7;
	[dreg:$0x18] =	wrdreg s7;
	s9 =	sadd.s32 $0x1800, s7  }
0x1b: {  	s2 =	sadd.s32 s2, s5;
	s5 =	sadd.s32 $0x100, s1;
	[dreg:$0x5] =	wrdreg s8  }
0x1c: {  	s7 =	smax.u32 s4, $0x1;
	[dreg:$0x6] =	wrdreg s9;
	s11 =	sadd.s32 $0x3000, s2  }
0x1d: {  	v2 =	vlaneseq.u32;
	s4 =	simm.s32 $0x1;
	s12 =	sadd.s32 $0x4800, s2;
	[dreg:$0x7] =	wrdreg s11  }
0x1e: {  	vm0 =	vmmov $0xffff;
	v1 =	vshrl.u32 v2, $0x3;
	s13 =	sadd.s32 $0x5A00, s2;
	s8 =	simm.s32 $0x12900;
	[dreg:$0x8] =	wrdreg s12  }
0x1f: {  	v0 =	vand.u32 $0x7, v2;
	v2 =	vor.u32 $0x8, v2;
	v1 =	vmul.u32 $0x8, v1;
	s9 =	simm.s32 $0x13900;
	[dreg:$0x9] =	wrdreg s13;
	s11 =	simm.s32 $0x11100  }
.LBB2_1:
0x20: {  	s25 =	rddreg [dreg:$0x4]  }
0x21: {  	s26 =	rddreg [dreg:$0xa]  }
0x22: {  	s28 =	rddreg [dreg:$0xb];
	s0 =	simm.s32 $0x5  }
0x23: {  	[tilespmem:s3], [sflag:$0x5] =	stream.strided.gather [hbm4b:s25+s26], $0x100, s28, s26, $0x38;
	[tilespmem:$0x18100] =	vst v63  }
0x24: {  	_ =	swait.ge [sflag:s0], $0x100  }
0x25: {  	[sflag:s0] =	ssyncset.done $0x0  }
0x26: {  	[sflag:s0] =	ssyncadd.s32 $0xFFFFFF00  }
0x27: {  	v3 =	vld [tilespmem:$0x0];
	_ =	sdelay $0x4  }
0x28: {  	v4 =	vshrl.u32 v3, $0x3  }
0x29: {  	v4 =	vmul.u32 $0x30, v4  }
0x2a: {  	v3 =	vand.u32 $0x7, v3  }
0x2b: {  	v3 =	vor.u32 v3, v4  }
0x2c: {  	v4 =	vperm.xlane v3, v0;
	_ =	sdelay $0x1  }
0x2d: {  	v4 =	vadd.s32 v1, v4;
	_ =	sdelay $0x3  }
0x2e: {  	v3 =	vperm.xlane v3, v2  }
0x2f: {  	[tilespmem:s15], [sflag:$0x1] =	stream.indirect_vreg.gather [hbm4b:s1+s3], $0x80, v4, vm0, $0xb8;
	[tilespmem:$0x18100] =	vst v63  }
0x30: {  	s12 =	simm.s32 $0x900;
	v3 =	vadd.s32 v1, v3  }
0x31: {  	[tilespmem:s12], [sflag:$0x1] =	stream.indirect_vreg.gather [hbm4b:s5+s3], $0x80, v4, vm0, $0xb8;
	[tilespmem:$0x18100] =	vst v63  }
0x32: {  	s13 =	simm.s32 $0x1100  }
0x33: {  	[tilespmem:s13], [sflag:$0x1] =	stream.indirect_vreg.gather [hbm4b:s6+s3], $0x80, v4, vm0, $0xb8;
	[tilespmem:$0x18100] =	vst v63  }
0x34: {  	s14 =	simm.s32 $0x1900  }
0x35: {  	[tilespmem:s14], [sflag:$0x1] =	stream.indirect_vreg.gather [hbm4b:s1+s3], $0x80, v3, vm0, $0xb8;
	[tilespmem:$0x18100] =	vst v63  }
0x36: {  	s16 =	simm.s32 $0x2100  }
0x37: {  	[tilespmem:s16], [sflag:$0x1] =	stream.indirect_vreg.gather [hbm4b:s5+s3], $0x80, v3, vm0, $0xb8;
	[tilespmem:$0x18100] =	vst v63  }
0x38: {  	s19 =	simm.s32 $0x2900  }
0x39: {  	[tilespmem:s19], [sflag:$0x1] =	stream.indirect_vreg.gather [hbm4b:s6+s3], $0x80, v3, vm0, $0xb8;
	[tilespmem:$0x18100] =	vst v63  }
0x3a: {  	v3 =	vld [tilespmem:$0x10];
	_ =	sdelay $0x4  }
0x3b: {  	v49 =	vshrl.u32 v3, $0x3  }
0x3c: {  	v4 =	vmul.u32 $0x30, v49  }
0x3d: {  	v3 =	vand.u32 $0x7, v3  }
0x3e: {  	v3 =	vor.u32 v3, v4  }
0x3f: {  	v4 =	vperm.xlane v3, v0;
	_ =	sdelay $0x1  }
0x40: {  	v4 =	vadd.s32 v1, v4;
	_ =	sdelay $0x3  }
0x41: {  	s0 =	simm.s32 $0xC100;
	v3 =	vperm.xlane v3, v2  }
0x42: {  	[tilespmem:s0], [sflag:$0x2] =	stream.indirect_vreg.gather [hbm4b:s1+s3], $0x80, v4, vm0, $0xb8;
	[tilespmem:$0x18100] =	vst v63  }
0x43: {  	s2 =	simm.s32 $0xC900;
	v3 =	vadd.s32 v1, v3  }
0x44: {  	[tilespmem:s2], [sflag:$0x2] =	stream.indirect_vreg.gather [hbm4b:s5+s3], $0x80, v4, vm0, $0xb8;
	[tilespmem:$0x18100] =	vst v63  }
0x45: {  	s25 =	simm.s32 $0xD100  }
0x46: {  	[tilespmem:s25], [sflag:$0x2] =	stream.indirect_vreg.gather [hbm4b:s6+s3], $0x80, v4, vm0, $0xb8;
	[tilespmem:$0x18100] =	vst v63  }
0x47: {  	s26 =	simm.s32 $0xD900  }
0x48: {  	[tilespmem:s26], [sflag:$0x2] =	stream.indirect_vreg.gather [hbm4b:s1+s3], $0x80, v3, vm0, $0xb8;
	[tilespmem:$0x18100] =	vst v63  }
0x49: {  	s28 =	simm.s32 $0xE100  }
0x4a: {  	[tilespmem:s28], [sflag:$0x2] =	stream.indirect_vreg.gather [hbm4b:s5+s3], $0x80, v3, vm0, $0xb8;
	[tilespmem:$0x18100] =	vst v63  }
0x4b: {  	s25 =	simm.s32 $0xE900  }
0x4c: {  	[tilespmem:s25], [sflag:$0x2] =	stream.indirect_vreg.gather [hbm4b:s6+s3], $0x80, v3, vm0, $0xb8;
	[tilespmem:$0x18100] =	vst v63  }
0x4d: {  	v3 =	vld [tilespmem:$0x20];
	_ =	sdelay $0x4  }
0x4e: {  	v50 =	vshrl.u32 v3, $0x3  }
0x4f: {  	v4 =	vmul.u32 $0x30, v50  }
0x50: {  	v3 =	vand.u32 $0x7, v3  }
0x51: {  	v3 =	vor.u32 v3, v4  }
0x52: {  	v4 =	vperm.xlane v3, v0;
	_ =	sdelay $0x1  }
0x53: {  	v4 =	vadd.s32 v1, v4;
	_ =	sdelay $0x3  }
0x54: {  	s28 =	simm.s32 $0xF100;
	v3 =	vperm.xlane v3, v2  }
0x55: {  	[tilespmem:s28], [sflag:$0x2] =	stream.indirect_vreg.gather [hbm4b:s1+s3], $0x80, v4, vm0, $0xb8;
	[tilespmem:$0x18100] =	vst v63  }
0x56: {  	v3 =	vadd.s32 v1, v3  }
0x57: {  	[tilespmem:s29], [sflag:$0x2] =	stream.indirect_vreg.gather [hbm4b:s5+s3], $0x80, v4, vm0, $0xb8;
	[tilespmem:$0x18100] =	vst v63  }
0x58: {  	_ = 	snop  }
0x59: {  	[tilespmem:s30], [sflag:$0x2] =	stream.indirect_vreg.gather [hbm4b:s6+s3], $0x80, v4, vm0, $0xb8;
	[tilespmem:$0x18100] =	vst v63  }
0x5a: {  	_ = 	snop  }
0x5b: {  	[tilespmem:s31], [sflag:$0x2] =	stream.indirect_vreg.gather [hbm4b:s1+s3], $0x80, v3, vm0, $0xb8;
	[tilespmem:$0x18100] =	vst v63  }
0x5c: {  	_ = 	snop  }
0x5d: {  	[tilespmem:s11], [sflag:$0x2] =	stream.indirect_vreg.gather [hbm4b:s5+s3], $0x80, v3, vm0, $0xb8;
	[tilespmem:$0x18100] =	vst v63  }
0x5e: {  	s2 =	simm.s32 $0x11900  }
0x5f: {  	[tilespmem:s2], [sflag:$0x2] =	stream.indirect_vreg.gather [hbm4b:s6+s3], $0x80, v3, vm0, $0xb8;
	[tilespmem:$0x18100] =	vst v63  }
0x60: {  	v3 =	vld [tilespmem:$0x30];
	_ =	sdelay $0x4  }
0x61: {  	v51 =	vshrl.u32 v3, $0x3  }
0x62: {  	v4 =	vmul.u32 $0x30, v51  }
0x63: {  	v3 =	vand.u32 $0x7, v3  }
0x64: {  	v3 =	vor.u32 v3, v4  }
0x65: {  	v4 =	vperm.xlane v3, v0;
	_ =	sdelay $0x1  }
0x66: {  	v4 =	vadd.s32 v1, v4;
	_ =	sdelay $0x3  }
0x67: {  	v3 =	vperm.xlane v3, v2  }
0x68: {  	[tilespmem:s22], [sflag:$0x2] =	stream.indirect_vreg.gather [hbm4b:s1+s3], $0x80, v4, vm0, $0xb8;
	[tilespmem:$0x18100] =	vst v63  }
0x69: {  	v3 =	vadd.s32 v1, v3  }
0x6a: {  	[tilespmem:s8], [sflag:$0x2] =	stream.indirect_vreg.gather [hbm4b:s5+s3], $0x80, v4, vm0, $0xb8;
	[tilespmem:$0x18100] =	vst v63  }
0x6b: {  	_ = 	snop  }
0x6c: {  	[tilespmem:s10], [sflag:$0x2] =	stream.indirect_vreg.gather [hbm4b:s6+s3], $0x80, v4, vm0, $0xb8;
	[tilespmem:$0x18100] =	vst v63  }
0x6d: {  	_ = 	snop  }
0x6e: {  	[tilespmem:s9], [sflag:$0x2] =	stream.indirect_vreg.gather [hbm4b:s1+s3], $0x80, v3, vm0, $0xb8;
	[tilespmem:$0x18100] =	vst v63  }
0x6f: {  	_ = 	snop  }
0x70: {  	[tilespmem:s17], [sflag:$0x2] =	stream.indirect_vreg.gather [hbm4b:s5+s3], $0x80, v3, vm0, $0xb8;
	[tilespmem:$0x18100] =	vst v63  }
0x71: {  	_ = 	snop  }
0x72: {  	[tilespmem:s18], [sflag:$0x2] =	stream.indirect_vreg.gather [hbm4b:s6+s3], $0x80, v3, vm0, $0xb8;
	[tilespmem:$0x18100] =	vst v63  }
0x73: {  	_ =	swait.ge [sflag:s4], $0x3000  }
0x74: {  	[sflag:s4] =	ssyncset.done $0x0  }
0x75: {  	s26 =	rddreg [dreg:$0x18];
	[sflag:s4] =	ssyncadd.s32 $0xFFFFD000  }
0x76: {  	[hbm4b:s26+s3] =	stream.linear.scatter [tilespmem:s15], [sflag:$0x3], $0x3000, $0x38;
	[tilespmem:$0x18100] =	vst v63  }
0x77: {  	_ =	swait.ge [sflag:s21], $0x3000  }
0x78: {  	[sflag:s21] =	ssyncset.done $0x0  }
0x79: {  	[sflag:s21] =	ssyncadd.s32 $0xFFFFD000  }
0x7a: {  	v3 =	vld [tilespmem:$0x40];
	_ =	sdelay $0x4  }
0x7b: {  	v52 =	vshrl.u32 v3, $0x3  }
0x7c: {  	v4 =	vmul.u32 $0x30, v52  }
0x7d: {  	v3 =	vand.u32 $0x7, v3  }
0x7e: {  	v3 =	vor.u32 v3, v4  }
0x7f: {  	v4 =	vperm.xlane v3, v0;
	_ =	sdelay $0x1  }
0x80: {  	v4 =	vadd.s32 v1, v4;
	_ =	sdelay $0x3  }
0x81: {  	v3 =	vperm.xlane v3, v2  }
0x82: {  	[tilespmem:s15], [sflag:$0x1] =	stream.indirect_vreg.gather [hbm4b:s1+s3], $0x80, v4, vm0, $0xb8;
	[tilespmem:$0x18100] =	vst v63  }
0x83: {  	s12 =	simm.s32 $0x900;
	v3 =	vadd.s32 v1, v3  }
0x84: {  	[tilespmem:s12], [sflag:$0x1] =	stream.indirect_vreg.gather [hbm4b:s5+s3], $0x80, v4, vm0, $0xb8;
	[tilespmem:$0x18100] =	vst v63  }
0x85: {  	s13 =	simm.s32 $0x1100  }
0x86: {  	[tilespmem:s13], [sflag:$0x1] =	stream.indirect_vreg.gather [hbm4b:s6+s3], $0x80, v4, vm0, $0xb8;
	[tilespmem:$0x18100] =	vst v63  }
0x87: {  	s14 =	simm.s32 $0x1900  }
0x88: {  	[tilespmem:s14], [sflag:$0x1] =	stream.indirect_vreg.gather [hbm4b:s1+s3], $0x80, v3, vm0, $0xb8;
	[tilespmem:$0x18100] =	vst v63  }
0x89: {  	s16 =	simm.s32 $0x2100  }
0x8a: {  	[tilespmem:s16], [sflag:$0x1] =	stream.indirect_vreg.gather [hbm4b:s5+s3], $0x80, v3, vm0, $0xb8;
	[tilespmem:$0x18100] =	vst v63  }
0x8b: {  	s19 =	simm.s32 $0x2900  }
0x8c: {  	[tilespmem:s19], [sflag:$0x1] =	stream.indirect_vreg.gather [hbm4b:s6+s3], $0x80, v3, vm0, $0xb8;
	[tilespmem:$0x18100] =	vst v63  }
0x8d: {  	v3 =	vld [tilespmem:$0x50];
	_ =	sdelay $0x4  }
0x8e: {  	v53 =	vshrl.u32 v3, $0x3  }
0x8f: {  	v4 =	vmul.u32 $0x30, v53  }
0x90: {  	v3 =	vand.u32 $0x7, v3  }
0x91: {  	v3 =	vor.u32 v3, v4  }
0x92: {  	v4 =	vperm.xlane v3, v0;
	_ =	sdelay $0x1  }
0x93: {  	v4 =	vadd.s32 v1, v4;
	_ =	sdelay $0x3  }
0x94: {  	s19 =	simm.s32 $0x3100;
	v3 =	vperm.xlane v3, v2  }
0x95: {  	[tilespmem:s19], [sflag:$0x1] =	stream.indirect_vreg.gather [hbm4b:s1+s3], $0x80, v4, vm0, $0xb8;
	[tilespmem:$0x18100] =	vst v63  }
0x96: {  	v3 =	vadd.s32 v1, v3  }
0x97: {  	[tilespmem:s20], [sflag:$0x1] =	stream.indirect_vreg.gather [hbm4b:s5+s3], $0x80, v4, vm0, $0xb8;
	[tilespmem:$0x18100] =	vst v63  }
0x98: {  	s12 =	simm.s32 $0x4100  }
0x99: {  	[tilespmem:s12], [sflag:$0x1] =	stream.indirect_vreg.gather [hbm4b:s6+s3], $0x80, v4, vm0, $0xb8;
	[tilespmem:$0x18100] =	vst v63  }
0x9a: {  	s13 =	simm.s32 $0x4900  }
0x9b: {  	[tilespmem:s13], [sflag:$0x1] =	stream.indirect_vreg.gather [hbm4b:s1+s3], $0x80, v3, vm0, $0xb8;
	[tilespmem:$0x18100] =	vst v63  }
0x9c: {  	s14 =	simm.s32 $0x5100  }
0x9d: {  	[tilespmem:s14], [sflag:$0x1] =	stream.indirect_vreg.gather [hbm4b:s5+s3], $0x80, v3, vm0, $0xb8;
	[tilespmem:$0x18100] =	vst v63  }
0x9e: {  	s16 =	simm.s32 $0x5900  }
0x9f: {  	[tilespmem:s16], [sflag:$0x1] =	stream.indirect_vreg.gather [hbm4b:s6+s3], $0x80, v3, vm0, $0xb8;
	[tilespmem:$0x18100] =	vst v63  }
0xa0: {  	v3 =	vld [tilespmem:$0x60];
	_ =	sdelay $0x4  }
0xa1: {  	v54 =	vshrl.u32 v3, $0x3  }
0xa2: {  	v4 =	vmul.u32 $0x30, v54  }
0xa3: {  	v3 =	vand.u32 $0x7, v3  }
0xa4: {  	v3 =	vor.u32 v3, v4  }
0xa5: {  	v4 =	vperm.xlane v3, v0;
	_ =	sdelay $0x1  }
0xa6: {  	v4 =	vadd.s32 v1, v4;
	_ =	sdelay $0x3  }
0xa7: {  	s26 =	simm.s32 $0x6100;
	v3 =	vperm.xlane v3, v2  }
0xa8: {  	[tilespmem:s26], [sflag:$0x1] =	stream.indirect_vreg.gather [hbm4b:s1+s3], $0x80, v4, vm0, $0xb8;
	[tilespmem:$0x18100] =	vst v63  }
0xa9: {  	v3 =	vadd.s32 v1, v3;
	s26 =	simm.s32 $0x6900  }
0xaa: {  	[tilespmem:s26], [sflag:$0x1] =	stream.indirect_vreg.gather [hbm4b:s5+s3], $0x80, v4, vm0, $0xb8;
	[tilespmem:$0x18100] =	vst v63  }
0xab: {  	s26 =	simm.s32 $0x7100  }
0xac: {  	[tilespmem:s26], [sflag:$0x1] =	stream.indirect_vreg.gather [hbm4b:s6+s3], $0x80, v4, vm0, $0xb8;
	[tilespmem:$0x18100] =	vst v63  }
0xad: {  	s26 =	simm.s32 $0x7900  }
0xae: {  	[tilespmem:s26], [sflag:$0x1] =	stream.indirect_vreg.gather [hbm4b:s1+s3], $0x80, v3, vm0, $0xb8;
	[tilespmem:$0x18100] =	vst v63  }
0xaf: {  	s26 =	simm.s32 $0x8100  }
0xb0: {  	[tilespmem:s26], [sflag:$0x1] =	stream.indirect_vreg.gather [hbm4b:s5+s3], $0x80, v3, vm0, $0xb8;
	[tilespmem:$0x18100] =	vst v63  }
0xb1: {  	s26 =	simm.s32 $0x8900  }
0xb2: {  	[tilespmem:s26], [sflag:$0x1] =	stream.indirect_vreg.gather [hbm4b:s6+s3], $0x80, v3, vm0, $0xb8;
	[tilespmem:$0x18100] =	vst v63  }
0xb3: {  	v3 =	vld [tilespmem:$0x70];
	_ =	sdelay $0x4  }
0xb4: {  	v55 =	vshrl.u32 v3, $0x3  }
0xb5: {  	v4 =	vmul.u32 $0x30, v55  }
0xb6: {  	v3 =	vand.u32 $0x7, v3  }
0xb7: {  	v3 =	vor.u32 v3, v4  }
0xb8: {  	v4 =	vperm.xlane v3, v0;
	_ =	sdelay $0x1  }
0xb9: {  	v4 =	vadd.s32 v1, v4;
	_ =	sdelay $0x3  }
0xba: {  	s25 =	rddreg [dreg:$0xc];
	v3 =	vperm.xlane v3, v2  }
0xbb: {  	[tilespmem:s25], [sflag:$0x1] =	stream.indirect_vreg.gather [hbm4b:s1+s3], $0x80, v4, vm0, $0xb8;
	[tilespmem:$0x18100] =	vst v63  }
0xbc: {  	s26 =	rddreg [dreg:$0xd];
	v3 =	vadd.s32 v1, v3  }
0xbd: {  	[tilespmem:s26], [sflag:$0x1] =	stream.indirect_vreg.gather [hbm4b:s5+s3], $0x80, v4, vm0, $0xb8;
	[tilespmem:$0x18100] =	vst v63  }
0xbe: {  	s25 =	rddreg [dreg:$0xe]  }
0xbf: {  	[tilespmem:s25], [sflag:$0x1] =	stream.indirect_vreg.gather [hbm4b:s6+s3], $0x80, v4, vm0, $0xb8;
	[tilespmem:$0x18100] =	vst v63  }
0xc0: {  	s26 =	rddreg [dreg:$0xf]  }
0xc1: {  	[tilespmem:s26], [sflag:$0x1] =	stream.indirect_vreg.gather [hbm4b:s1+s3], $0x80, v3, vm0, $0xb8;
	[tilespmem:$0x18100] =	vst v63  }
0xc2: {  	s25 =	rddreg [dreg:$0x10]  }
0xc3: {  	[tilespmem:s25], [sflag:$0x1] =	stream.indirect_vreg.gather [hbm4b:s5+s3], $0x80, v3, vm0, $0xb8;
	[tilespmem:$0x18100] =	vst v63  }
0xc4: {  	s26 =	rddreg [dreg:$0x11]  }
0xc5: {  	[tilespmem:s26], [sflag:$0x1] =	stream.indirect_vreg.gather [hbm4b:s6+s3], $0x80, v3, vm0, $0xb8;
	[tilespmem:$0x18100] =	vst v63  }
0xc6: {  	_ =	swait.ge [sflag:s23], $0x9000  }
0xc7: {  	[sflag:s23] =	ssyncset.done $0x0  }
0xc8: {  	s26 =	rddreg [dreg:$0x5];
	[sflag:s23] =	ssyncadd.s32 $0xFFFF7000  }
0xc9: {  	[hbm4b:s26+s3] =	stream.linear.scatter [tilespmem:s0], [sflag:$0x4], $0x9000, $0x38;
	[tilespmem:$0x18100] =	vst v63  }
0xca: {  	_ =	swait.ge [sflag:s24], $0x9000  }
0xcb: {  	[sflag:s24] =	ssyncset.done $0x0  }
0xcc: {  	[sflag:s24] =	ssyncadd.s32 $0xFFFF7000  }
0xcd: {  	v3 =	vld [tilespmem:$0x80];
	_ =	sdelay $0x4  }
0xce: {  	v56 =	vshrl.u32 v3, $0x3  }
0xcf: {  	v4 =	vmul.u32 $0x30, v56  }
0xd0: {  	v3 =	vand.u32 $0x7, v3  }
0xd1: {  	v3 =	vor.u32 v3, v4  }
0xd2: {  	v4 =	vperm.xlane v3, v0;
	_ =	sdelay $0x1  }
0xd3: {  	v4 =	vadd.s32 v1, v4;
	_ =	sdelay $0x3  }
0xd4: {  	v3 =	vperm.xlane v3, v2  }
0xd5: {  	[tilespmem:s0], [sflag:$0x2] =	stream.indirect_vreg.gather [hbm4b:s1+s3], $0x80, v4, vm0, $0xb8;
	[tilespmem:$0x18100] =	vst v63  }
0xd6: {  	s26 =	simm.s32 $0xC900;
	v3 =	vadd.s32 v1, v3  }
0xd7: {  	[tilespmem:s26], [sflag:$0x2] =	stream.indirect_vreg.gather [hbm4b:s5+s3], $0x80, v4, vm0, $0xb8;
	[tilespmem:$0x18100] =	vst v63  }
0xd8: {  	s26 =	simm.s32 $0xD100  }
0xd9: {  	[tilespmem:s26], [sflag:$0x2] =	stream.indirect_vreg.gather [hbm4b:s6+s3], $0x80, v4, vm0, $0xb8;
	[tilespmem:$0x18100] =	vst v63  }
0xda: {  	s26 =	simm.s32 $0xD900  }
0xdb: {  	[tilespmem:s26], [sflag:$0x2] =	stream.indirect_vreg.gather [hbm4b:s1+s3], $0x80, v3, vm0, $0xb8;
	[tilespmem:$0x18100] =	vst v63  }
0xdc: {  	s26 =	simm.s32 $0xE100  }
0xdd: {  	[tilespmem:s26], [sflag:$0x2] =	stream.indirect_vreg.gather [hbm4b:s5+s3], $0x80, v3, vm0, $0xb8;
	[tilespmem:$0x18100] =	vst v63  }
0xde: {  	s26 =	simm.s32 $0xE900  }
0xdf: {  	[tilespmem:s26], [sflag:$0x2] =	stream.indirect_vreg.gather [hbm4b:s6+s3], $0x80, v3, vm0, $0xb8;
	[tilespmem:$0x18100] =	vst v63  }
0xe0: {  	v3 =	vld [tilespmem:$0x90];
	_ =	sdelay $0x4  }
0xe1: {  	v57 =	vshrl.u32 v3, $0x3  }
0xe2: {  	v4 =	vmul.u32 $0x30, v57  }
0xe3: {  	v3 =	vand.u32 $0x7, v3  }
0xe4: {  	v3 =	vor.u32 v3, v4  }
0xe5: {  	v4 =	vperm.xlane v3, v0;
	_ =	sdelay $0x1  }
0xe6: {  	v4 =	vadd.s32 v1, v4;
	_ =	sdelay $0x3  }
0xe7: {  	v3 =	vperm.xlane v3, v2  }
0xe8: {  	[tilespmem:s28], [sflag:$0x2] =	stream.indirect_vreg.gather [hbm4b:s1+s3], $0x80, v4, vm0, $0xb8;
	[tilespmem:$0x18100] =	vst v63  }
0xe9: {  	v3 =	vadd.s32 v1, v3  }
0xea: {  	[tilespmem:s29], [sflag:$0x2] =	stream.indirect_vreg.gather [hbm4b:s5+s3], $0x80, v4, vm0, $0xb8;
	[tilespmem:$0x18100] =	vst v63  }
0xeb: {  	_ = 	snop  }
0xec: {  	[tilespmem:s30], [sflag:$0x2] =	stream.indirect_vreg.gather [hbm4b:s6+s3], $0x80, v4, vm0, $0xb8;
	[tilespmem:$0x18100] =	vst v63  }
0xed: {  	_ = 	snop  }
0xee: {  	[tilespmem:s31], [sflag:$0x2] =	stream.indirect_vreg.gather [hbm4b:s1+s3], $0x80, v3, vm0, $0xb8;
	[tilespmem:$0x18100] =	vst v63  }
0xef: {  	_ = 	snop  }
0xf0: {  	[tilespmem:s11], [sflag:$0x2] =	stream.indirect_vreg.gather [hbm4b:s5+s3], $0x80, v3, vm0, $0xb8;
	[tilespmem:$0x18100] =	vst v63  }
0xf1: {  	_ = 	snop  }
0xf2: {  	[tilespmem:s2], [sflag:$0x2] =	stream.indirect_vreg.gather [hbm4b:s6+s3], $0x80, v3, vm0, $0xb8;
	[tilespmem:$0x18100] =	vst v63  }
0xf3: {  	v3 =	vld [tilespmem:$0xA0];
	_ =	sdelay $0x4  }
0xf4: {  	v58 =	vshrl.u32 v3, $0x3  }
0xf5: {  	v4 =	vmul.u32 $0x30, v58  }
0xf6: {  	v3 =	vand.u32 $0x7, v3  }
0xf7: {  	v3 =	vor.u32 v3, v4  }
0xf8: {  	v4 =	vperm.xlane v3, v0;
	_ =	sdelay $0x1  }
0xf9: {  	v4 =	vadd.s32 v1, v4;
	_ =	sdelay $0x3  }
0xfa: {  	v3 =	vperm.xlane v3, v2  }
0xfb: {  	[tilespmem:s22], [sflag:$0x2] =	stream.indirect_vreg.gather [hbm4b:s1+s3], $0x80, v4, vm0, $0xb8;
	[tilespmem:$0x18100] =	vst v63  }
0xfc: {  	v3 =	vadd.s32 v1, v3  }
0xfd: {  	[tilespmem:s8], [sflag:$0x2] =	stream.indirect_vreg.gather [hbm4b:s5+s3], $0x80, v4, vm0, $0xb8;
	[tilespmem:$0x18100] =	vst v63  }
0xfe: {  	_ = 	snop  }
0xff: {  	[tilespmem:s10], [sflag:$0x2] =	stream.indirect_vreg.gather [hbm4b:s6+s3], $0x80, v4, vm0, $0xb8;
	[tilespmem:$0x18100] =	vst v63  }
0x100: {  	_ = 	snop  }
0x101: {  	[tilespmem:s9], [sflag:$0x2] =	stream.indirect_vreg.gather [hbm4b:s1+s3], $0x80, v3, vm0, $0xb8;
	[tilespmem:$0x18100] =	vst v63  }
0x102: {  	_ = 	snop  }
0x103: {  	[tilespmem:s17], [sflag:$0x2] =	stream.indirect_vreg.gather [hbm4b:s5+s3], $0x80, v3, vm0, $0xb8;
	[tilespmem:$0x18100] =	vst v63  }
0x104: {  	_ = 	snop  }
0x105: {  	[tilespmem:s18], [sflag:$0x2] =	stream.indirect_vreg.gather [hbm4b:s6+s3], $0x80, v3, vm0, $0xb8;
	[tilespmem:$0x18100] =	vst v63  }
0x106: {  	v3 =	vld [tilespmem:$0xB0];
	_ =	sdelay $0x4  }
0x107: {  	v59 =	vshrl.u32 v3, $0x3  }
0x108: {  	v4 =	vmul.u32 $0x30, v59  }
0x109: {  	v3 =	vand.u32 $0x7, v3  }
0x10a: {  	v3 =	vor.u32 v3, v4  }
0x10b: {  	v4 =	vperm.xlane v3, v0;
	_ =	sdelay $0x1  }
0x10c: {  	v4 =	vadd.s32 v1, v4;
	_ =	sdelay $0x3  }
0x10d: {  	s26 =	rddreg [dreg:$0x12];
	v3 =	vperm.xlane v3, v2  }
0x10e: {  	[tilespmem:s26], [sflag:$0x2] =	stream.indirect_vreg.gather [hbm4b:s1+s3], $0x80, v4, vm0, $0xb8;
	[tilespmem:$0x18100] =	vst v63  }
0x10f: {  	s28 =	rddreg [dreg:$0x13];
	v3 =	vadd.s32 v1, v3  }
0x110: {  	[tilespmem:s28], [sflag:$0x2] =	stream.indirect_vreg.gather [hbm4b:s5+s3], $0x80, v4, vm0, $0xb8;
	[tilespmem:$0x18100] =	vst v63  }
0x111: {  	s2 =	rddreg [dreg:$0x14]  }
0x112: {  	[tilespmem:s2], [sflag:$0x2] =	stream.indirect_vreg.gather [hbm4b:s6+s3], $0x80, v4, vm0, $0xb8;
	[tilespmem:$0x18100] =	vst v63  }
0x113: {  	s28 =	rddreg [dreg:$0x15]  }
0x114: {  	[tilespmem:s28], [sflag:$0x2] =	stream.indirect_vreg.gather [hbm4b:s1+s3], $0x80, v3, vm0, $0xb8;
	[tilespmem:$0x18100] =	vst v63  }
0x115: {  	s2 =	rddreg [dreg:$0x16]  }
0x116: {  	[tilespmem:s2], [sflag:$0x2] =	stream.indirect_vreg.gather [hbm4b:s5+s3], $0x80, v3, vm0, $0xb8;
	[tilespmem:$0x18100] =	vst v63  }
0x117: {  	s28 =	rddreg [dreg:$0x17]  }
0x118: {  	[tilespmem:s28], [sflag:$0x2] =	stream.indirect_vreg.gather [hbm4b:s6+s3], $0x80, v3, vm0, $0xb8;
	[tilespmem:$0x18100] =	vst v63  }
0x119: {  	_ =	swait.ge [sflag:s4], $0xC000  }
0x11a: {  	[sflag:s4] =	ssyncset.done $0x0  }
0x11b: {  	s2 =	rddreg [dreg:$0x6];
	[sflag:s4] =	ssyncadd.s32 $0xFFFF4000  }
0x11c: {  	[hbm4b:s2+s3] =	stream.linear.scatter [tilespmem:s15], [sflag:$0x3], $0xC000, $0x38;
	[tilespmem:$0x18100] =	vst v63  }
0x11d: {  	_ =	swait.ge [sflag:s21], $0xC000  }
0x11e: {  	[sflag:s21] =	ssyncset.done $0x0  }
0x11f: {  	[sflag:s21] =	ssyncadd.s32 $0xFFFF4000  }
0x120: {  	v3 =	vld [tilespmem:$0xC0];
	_ =	sdelay $0x4  }
0x121: {  	v60 =	vshrl.u32 v3, $0x3  }
0x122: {  	v4 =	vmul.u32 $0x30, v60  }
0x123: {  	v3 =	vand.u32 $0x7, v3  }
0x124: {  	v3 =	vor.u32 v3, v4  }
0x125: {  	v4 =	vperm.xlane v3, v0;
	_ =	sdelay $0x1  }
0x126: {  	v4 =	vadd.s32 v1, v4;
	_ =	sdelay $0x3  }
0x127: {  	v3 =	vperm.xlane v3, v2  }
0x128: {  	[tilespmem:s15], [sflag:$0x1] =	stream.indirect_vreg.gather [hbm4b:s1+s3], $0x80, v4, vm0, $0xb8;
	[tilespmem:$0x18100] =	vst v63  }
0x129: {  	s26 =	simm.s32 $0x900;
	v3 =	vadd.s32 v1, v3  }
0x12a: {  	[tilespmem:s26], [sflag:$0x1] =	stream.indirect_vreg.gather [hbm4b:s5+s3], $0x80, v4, vm0, $0xb8;
	[tilespmem:$0x18100] =	vst v63  }
0x12b: {  	s28 =	simm.s32 $0x1100  }
0x12c: {  	[tilespmem:s28], [sflag:$0x1] =	stream.indirect_vreg.gather [hbm4b:s6+s3], $0x80, v4, vm0, $0xb8;
	[tilespmem:$0x18100] =	vst v63  }
0x12d: {  	s25 =	simm.s32 $0x1900  }
0x12e: {  	[tilespmem:s25], [sflag:$0x1] =	stream.indirect_vreg.gather [hbm4b:s1+s3], $0x80, v3, vm0, $0xb8;
	[tilespmem:$0x18100] =	vst v63  }
0x12f: {  	s26 =	simm.s32 $0x2100  }
0x130: {  	[tilespmem:s26], [sflag:$0x1] =	stream.indirect_vreg.gather [hbm4b:s5+s3], $0x80, v3, vm0, $0xb8;
	[tilespmem:$0x18100] =	vst v63  }
0x131: {  	s28 =	simm.s32 $0x2900  }
0x132: {  	[tilespmem:s28], [sflag:$0x1] =	stream.indirect_vreg.gather [hbm4b:s6+s3], $0x80, v3, vm0, $0xb8;
	[tilespmem:$0x18100] =	vst v63  }
0x133: {  	v3 =	vld [tilespmem:$0xD0];
	_ =	sdelay $0x4  }
0x134: {  	v61 =	vshrl.u32 v3, $0x3  }
0x135: {  	v4 =	vmul.u32 $0x30, v61  }
0x136: {  	v3 =	vand.u32 $0x7, v3  }
0x137: {  	v3 =	vor.u32 v3, v4  }
0x138: {  	v4 =	vperm.xlane v3, v0;
	_ =	sdelay $0x1  }
0x139: {  	v4 =	vadd.s32 v1, v4;
	_ =	sdelay $0x3  }
0x13a: {  	v3 =	vperm.xlane v3, v2  }
0x13b: {  	[tilespmem:s19], [sflag:$0x1] =	stream.indirect_vreg.gather [hbm4b:s1+s3], $0x80, v4, vm0, $0xb8;
	[tilespmem:$0x18100] =	vst v63  }
0x13c: {  	v3 =	vadd.s32 v1, v3  }
0x13d: {  	[tilespmem:s20], [sflag:$0x1] =	stream.indirect_vreg.gather [hbm4b:s5+s3], $0x80, v4, vm0, $0xb8;
	[tilespmem:$0x18100] =	vst v63  }
0x13e: {  	_ = 	snop  }
0x13f: {  	[tilespmem:s12], [sflag:$0x1] =	stream.indirect_vreg.gather [hbm4b:s6+s3], $0x80, v4, vm0, $0xb8;
	[tilespmem:$0x18100] =	vst v63  }
0x140: {  	_ = 	snop  }
0x141: {  	[tilespmem:s13], [sflag:$0x1] =	stream.indirect_vreg.gather [hbm4b:s1+s3], $0x80, v3, vm0, $0xb8;
	[tilespmem:$0x18100] =	vst v63  }
0x142: {  	_ = 	snop  }
0x143: {  	[tilespmem:s14], [sflag:$0x1] =	stream.indirect_vreg.gather [hbm4b:s5+s3], $0x80, v3, vm0, $0xb8;
	[tilespmem:$0x18100] =	vst v63  }
0x144: {  	_ = 	snop  }
0x145: {  	[tilespmem:s16], [sflag:$0x1] =	stream.indirect_vreg.gather [hbm4b:s6+s3], $0x80, v3, vm0, $0xb8;
	[tilespmem:$0x18100] =	vst v63  }
0x146: {  	v3 =	vld [tilespmem:$0xE0];
	_ =	sdelay $0x4  }
0x147: {  	v62 =	vshrl.u32 v3, $0x3  }
0x148: {  	v4 =	vmul.u32 $0x30, v62  }
0x149: {  	v3 =	vand.u32 $0x7, v3  }
0x14a: {  	v3 =	vor.u32 v3, v4  }
0x14b: {  	v4 =	vperm.xlane v3, v0;
	_ =	sdelay $0x1  }
0x14c: {  	v4 =	vadd.s32 v1, v4;
	_ =	sdelay $0x3  }
0x14d: {  	s14 =	simm.s32 $0x6100;
	v3 =	vperm.xlane v3, v2  }
0x14e: {  	[tilespmem:s14], [sflag:$0x1] =	stream.indirect_vreg.gather [hbm4b:s1+s3], $0x80, v4, vm0, $0xb8;
	[tilespmem:$0x18100] =	vst v63  }
0x14f: {  	s16 =	simm.s32 $0x6900;
	v3 =	vadd.s32 v1, v3  }
0x150: {  	[tilespmem:s16], [sflag:$0x1] =	stream.indirect_vreg.gather [hbm4b:s5+s3], $0x80, v4, vm0, $0xb8;
	[tilespmem:$0x18100] =	vst v63  }
0x151: {  	s19 =	simm.s32 $0x7100  }
0x152: {  	[tilespmem:s19], [sflag:$0x1] =	stream.indirect_vreg.gather [hbm4b:s6+s3], $0x80, v4, vm0, $0xb8;
	[tilespmem:$0x18100] =	vst v63  }
0x153: {  	s25 =	simm.s32 $0x7900  }
0x154: {  	[tilespmem:s25], [sflag:$0x1] =	stream.indirect_vreg.gather [hbm4b:s1+s3], $0x80, v3, vm0, $0xb8;
	[tilespmem:$0x18100] =	vst v63  }
0x155: {  	s26 =	simm.s32 $0x8100  }
0x156: {  	[tilespmem:s26], [sflag:$0x1] =	stream.indirect_vreg.gather [hbm4b:s5+s3], $0x80, v3, vm0, $0xb8;
	[tilespmem:$0x18100] =	vst v63  }
0x157: {  	s28 =	simm.s32 $0x8900  }
0x158: {  	[tilespmem:s28], [sflag:$0x1] =	stream.indirect_vreg.gather [hbm4b:s6+s3], $0x80, v3, vm0, $0xb8;
	[tilespmem:$0x18100] =	vst v63  }
0x159: {  	_ =	swait.ge [sflag:s23], $0xC000  }
0x15a: {  	[sflag:s23] =	ssyncset.done $0x0  }
0x15b: {  	s12 =	rddreg [dreg:$0x7];
	[sflag:s23] =	ssyncadd.s32 $0xFFFF4000  }
0x15c: {  	[hbm4b:s12+s3] =	stream.linear.scatter [tilespmem:s0], [sflag:$0x4], $0xC000, $0x38;
	[tilespmem:$0x18100] =	vst v63  }
0x15d: {  	_ =	swait.ge [sflag:s24], $0xC000  }
0x15e: {  	[sflag:s24] =	ssyncset.done $0x0  }
0x15f: {  	[sflag:s24] =	ssyncadd.s32 $0xFFFF4000  }
0x160: {  	v3 =	vld [tilespmem:$0xF0];
	_ =	sdelay $0x4  }
0x161: {  	v63 =	vshrl.u32 v3, $0x3  }
0x162: {  	v4 =	vmul.u32 $0x30, v63  }
0x163: {  	v3 =	vand.u32 $0x7, v3  }
0x164: {  	v3 =	vor.u32 v3, v4  }
0x165: {  	v4 =	vperm.xlane v3, v0;
	_ =	sdelay $0x1  }
0x166: {  	v4 =	vadd.s32 v1, v4;
	_ =	sdelay $0x3  }
0x167: {  	v3 =	vperm.xlane v3, v2  }
0x168: {  	[tilespmem:s0], [sflag:$0x2] =	stream.indirect_vreg.gather [hbm4b:s1+s3], $0x80, v4, vm0, $0xb8;
	[tilespmem:$0x18100] =	vst v63  }
0x169: {  	s13 =	simm.s32 $0xC900;
	v3 =	vadd.s32 v1, v3  }
0x16a: {  	[tilespmem:s13], [sflag:$0x2] =	stream.indirect_vreg.gather [hbm4b:s5+s3], $0x80, v4, vm0, $0xb8;
	[tilespmem:$0x18100] =	vst v63  }
0x16b: {  	s14 =	simm.s32 $0xD100  }
0x16c: {  	[tilespmem:s14], [sflag:$0x2] =	stream.indirect_vreg.gather [hbm4b:s6+s3], $0x80, v4, vm0, $0xb8;
	[tilespmem:$0x18100] =	vst v63  }
0x16d: {  	s16 =	simm.s32 $0xD900  }
0x16e: {  	[tilespmem:s16], [sflag:$0x2] =	stream.indirect_vreg.gather [hbm4b:s1+s3], $0x80, v3, vm0, $0xb8;
	[tilespmem:$0x18100] =	vst v63  }
0x16f: {  	s19 =	simm.s32 $0xE100  }
0x170: {  	[tilespmem:s19], [sflag:$0x2] =	stream.indirect_vreg.gather [hbm4b:s5+s3], $0x80, v3, vm0, $0xb8;
	[tilespmem:$0x18100] =	vst v63  }
0x171: {  	s25 =	simm.s32 $0xE900  }
0x172: {  	[tilespmem:s25], [sflag:$0x2] =	stream.indirect_vreg.gather [hbm4b:s6+s3], $0x80, v3, vm0, $0xb8;
	[tilespmem:$0x18100] =	vst v63  }
0x173: {  	_ =	swait.ge [sflag:s4], $0x9000  }
0x174: {  	[sflag:s4] =	ssyncset.done $0x0  }
0x175: {  	s26 =	rddreg [dreg:$0x8];
	[sflag:s4] =	ssyncadd.s32 $0xFFFF7000  }
0x176: {  	[hbm4b:s26+s3] =	stream.linear.scatter [tilespmem:s15], [sflag:$0x3], $0x9000, $0x38;
	[tilespmem:$0x18100] =	vst v63  }
0x177: {  	_ =	swait.ge [sflag:s23], $0x3000  }
0x178: {  	[sflag:s23] =	ssyncset.done $0x0  }
0x179: {  	s28 =	rddreg [dreg:$0x9];
	[sflag:s23] =	ssyncadd.s32 $0xFFFFD000  }
0x17a: {  	[hbm4b:s28+s3] =	stream.linear.scatter [tilespmem:s0], [sflag:$0x4], $0x3000, $0x38;
	[tilespmem:$0x18100] =	vst v63  }
0x17b: {  	p0 =	sne.s32 s7, $0x1;
	_ =	swait.ge [sflag:s24], $0x3000  }
.Ltmp0:
0x17c: {  	[sflag:s24] =	ssyncset.done $0x0;
	(pc) =	sbr.rel @p0 .LBB2_1-.Ltmp0, $4  }
0x17d: {  	[sflag:s24] =	ssyncadd.s32 $0xFFFFD000  }
0x17e: {  	_ =	swait.ge [sflag:s21], $0x9000  }
0x17f: {  	[sflag:s21] =	ssyncset.done $0x0  }
0x180: {  	s7 =	sadd.s32 $0xFFFFFFFF, s7;
	[sflag:s21] =	ssyncadd.s32 $0xFFFF7000  }
0x181: {  	_ =	sfence.sel $0x180000  }
0x182: {  	[bflag:$0x0] =	sbarrier.arrive $0xFFFF  }
0x183: {  	_ =	strace $0x90000047  }
0x184: {  	s0 =	stileid.u32;
	[bflag:$0x2] =	sbarrier.arrive $0xFFFF  }
0x185: {  	p0 =	sne.s32 s0, $0x0;
	s0 =	rddreg [dreg:$0x3]  }
0x186: {  	s0 =	sadd.s32 @!p0 $0x100000, s0  }
0x187: {  	[sflag:s0] =	ssyncadd.tile.s32 @!p0 $0x1;
	_ =	shalt  }
.Lfunc_end2:
_tile_overlayer_lowered:
.L_overlay_start_2:
0x188: {  	(tag) =	ssettag $0x2  }
0x189: {  	s0 =	rddreg [dreg:$0x0];
	s2 =	stileid.u32  }
0x18a: {  	s1 =	rddreg [dreg:$0x1];
	p0 =	sne.s32 s2, $0x0  }
0x18b: {  	s3 =	rddreg [dreg:$0x2];
	[bflag:$0x3] =	sbarrier.arrive $0xFFFF;
	s2 =	simm.s32 @!p0 $0x1C05  }
0x18c: {  	[timem:s3], [sflag:s2] =	dma.local @!p0 [hbm:s0], s1  }
0x18d: {  	s0 =	simm.s32 @!p0 $0x5  }
0x18e: {  	_ =	swait.ge @!p0 [sflag:s0], s1  }
0x18f: {  	s1 =	ssub.s32 @!p0 $0x0, s1;
	[sflag:s0] =	ssyncset.done @!p0 $0x0  }
0x190: {  	[sflag:s0] =	ssyncadd.s32 @!p0 s1  }
0x191: {  	[bflag:$0x3] =	sbarrier.arrive $0xFFFF  }
0x192: {  	_ =	shalt  }

</sc_bundles>
